<compile_context>
chip_gen: v7x
topology: tpu7x:2x2x1
jax: 0.10.2.dev20260603
libtpu: 0.0.44.dev20260713+nightly
codegen_flags: <defaults>
</compile_context>

<pallas_src>
import jax
import jax.numpy as jnp
from jax import lax
from jax.experimental import pallas as pl
from jax.experimental.pallas import tpu as pltpu
from jax.experimental.pallas import tpu_sc as plsc

N_NODES = 10000
N_PAIRS = 320000
D_FEAT = 128
HIDDEN = 128
N_CLASSES = 64
NUM_PPR = 3


_BR = 2560
_GROUPS = N_PAIRS // 128


def _mlp_body(x_ref, s0_ref, s1_ref, s2_ref, wsq_ref,
              w0_ref, w1_ref, w2_ref,
              o0_ref, o1_ref, o2_ref):
    f32 = jnp.float32
    a = jnp.maximum(jnp.dot(x_ref[...], w0_ref[...], preferred_element_type=f32, precision=jax.lax.Precision.HIGHEST), 0.0)
    b = jnp.maximum(jnp.dot(a, w1_ref[...], preferred_element_type=f32, precision=jax.lax.Precision.HIGHEST), 0.0)
    l = jnp.dot(b, w2_ref[...], preferred_element_type=f32, precision=jax.lax.Precision.HIGHEST)
    o0_ref[...] = l * (s0_ref[...] * wsq_ref[0, 0])
    o1_ref[...] = l * (s1_ref[...] * wsq_ref[1, 0])
    o2_ref[...] = l * (s2_ref[...] * wsq_ref[2, 0])


def _mlp_scaled(X, s0, s1, s2, W_squeeze, W0, W1, W2):
    grid = (N_PAIRS // _BR,)
    row_spec = pl.BlockSpec((_BR, D_FEAT), lambda i: (i, 0))
    sc_spec = pl.BlockSpec((_BR, 1), lambda i: (i, 0))
    out_spec = pl.BlockSpec((_BR, HIDDEN), lambda i: (i, 0))
    w_spec = lambda r, c: pl.BlockSpec((r, c), lambda i: (0, 0))
    out_sds = jax.ShapeDtypeStruct((N_PAIRS, HIDDEN), jnp.float32)
    return pl.pallas_call(
        _mlp_body,
        grid=grid,
        in_specs=[
            row_spec, sc_spec, sc_spec, sc_spec,
            pl.BlockSpec(memory_space=pltpu.SMEM),
            w_spec(D_FEAT, HIDDEN), w_spec(HIDDEN, HIDDEN),
            w_spec(HIDDEN, HIDDEN),
        ],
        out_specs=[out_spec, out_spec, out_spec],
        out_shape=[out_sds, out_sds, out_sds],
    )(X, s0[:, None], s1[:, None], s2[:, None], W_squeeze, W0, W1, W2)



_ACC_ROWS = 10112
_NW = 32
_BASE_G = _GROUPS // _NW
_EXTRA_G = _GROUPS - _BASE_G * _NW


def _sc_scatter_body(s0, s1, s2, i0, i1, i2, out,
                     sbuf, ibuf, zbuf, acc):
    c = lax.axis_index("c")
    s = lax.axis_index("s")
    wid = s * 2 + c

    def _zrow(r, carry):
        for v in range(8):
            zbuf[r, pl.ds(v * 16, 16)] = jnp.zeros((16,), jnp.float32)
        return carry
    lax.fori_loop(0, 128, _zrow, 0)
    for g_off in range(5):
        g = s + g_off * 16
        @pl.when(g < _ACC_ROWS // 128)
        def _():
            pltpu.sync_copy(zbuf, acc.at[pl.ds(g * 128, 128)])
    plsc.subcore_barrier()

    start = wid * _BASE_G + jnp.minimum(wid, _EXTRA_G)
    n = _BASE_G + (wid < _EXTRA_G).astype(jnp.int32)

    for s_hbm, i_hbm in ((s0, i0), (s1, i1), (s2, i2)):
        def _grp(j, carry, s_hbm=s_hbm, i_hbm=i_hbm):
            row = start + j
            pltpu.sync_copy(i_hbm.at[row, 0], ibuf)
            pltpu.sync_copy(s_hbm.at[pl.ds(row * 128, 128)], sbuf)
            pltpu.sync_copy(sbuf, acc.at[ibuf], add=True)
            return carry
        lax.fori_loop(0, n, _grp, 0)

    plsc.subcore_barrier()
    w_start = s * 624
    pltpu.sync_copy(acc.at[pl.ds(w_start, 624)],
                    out.at[c].at[pl.ds(w_start, 624)])
    @pl.when(s == 15)
    def _():
        pltpu.sync_copy(acc.at[pl.ds(9984, 16)],
                        out.at[c].at[pl.ds(9984, 16)])


def _sc_scatter(S0, S1, S2, idx0, idx1, idx2):
    mesh = plsc.VectorSubcoreMesh(core_axis_name="c", subcore_axis_name="s")
    kfn = pl.kernel(
        _sc_scatter_body,
        out_type=jax.ShapeDtypeStruct((2, N_NODES, HIDDEN), jnp.float32),
        mesh=mesh,
        scratch_types=[
            pltpu.VMEM((128, HIDDEN), jnp.float32),
            pltpu.VMEM((128,), jnp.int32),
            pltpu.VMEM((128, HIDDEN), jnp.float32),
            pltpu.VMEM_SHARED((_ACC_ROWS, HIDDEN), jnp.float32),
        ],
    )
    i3d = lambda i: i.reshape(_GROUPS, 1, 128).astype(jnp.int32)
    return kfn(S0, S1, S2, i3d(idx0), i3d(idx1), i3d(idx2))



def _combine_body(p_ref, wh_ref, bsq_ref, bh_ref, o_ref):
    x2d = p_ref[0] + p_ref[1] + bsq_ref[0, 0]
    o_ref[...] = jnp.dot(x2d, wh_ref[...], preferred_element_type=jnp.float32,
                         precision=jax.lax.Precision.HIGHEST) + bh_ref[...]


def _combine(partials, W_head, b_squeeze, b_head):
    blk = 2000
    return pl.pallas_call(
        _combine_body,
        grid=(N_NODES // blk,),
        in_specs=[
            pl.BlockSpec((2, blk, HIDDEN), lambda i: (0, i, 0)),
            pl.BlockSpec((HIDDEN, N_CLASSES), lambda i: (0, 0)),
            pl.BlockSpec(memory_space=pltpu.SMEM),
            pl.BlockSpec((1, N_CLASSES), lambda i: (0, 0)),
        ],
        out_specs=pl.BlockSpec((blk, N_CLASSES), lambda i: (i, 0)),
        out_shape=jax.ShapeDtypeStruct((N_NODES, N_CLASSES), jnp.float32),
    )(partials, W_head, b_squeeze[:, None], b_head[None, :])


def kernel(X, ppr_scores_0, ppr_scores_1, ppr_scores_2,
           ppr_idx_0, ppr_idx_1, ppr_idx_2,
           W0, W1, W2, W_squeeze, b_squeeze, W_head, b_head):
    S0, S1, S2 = _mlp_scaled(X, ppr_scores_0, ppr_scores_1, ppr_scores_2,
                             W_squeeze, W0, W1, W2)
    partials = _sc_scatter(S0, S1, S2, ppr_idx_0, ppr_idx_1, ppr_idx_2)
    return _combine(partials, W_head, b_squeeze, b_head)

# --- scband reference (transcript-rebuilt; emitter-appended) ---
"""Pipeline reference for scband-multi-pprgo-54296976556589 (READ-ONLY COPY).

The authoritative reference and input builder live on the scoring server;
editing this copy changes nothing except your own understanding.
"""

import jax, jax.numpy as jnp
import numpy as np

N_NODES = 10000
N_PAIRS = 320000
D_FEAT = 128
HIDDEN = 128
N_CLASSES = 64
NUM_PPR = 3


def setup_inputs(seed: int = 0) -> dict:
    key = jax.random.key(seed)
    ks = jax.random.split(key, 16)
    inp = {}
    inp['X'] = jax.random.normal(ks[0], (N_PAIRS, D_FEAT), dtype=jnp.float32)
    for i in range(NUM_PPR):
        inp[f'ppr_scores_{i}'] = jax.random.uniform(ks[1 + i], (N_PAIRS,), dtype=jnp.float32)
        idx = jnp.sort(jax.random.randint(ks[4 + i], (N_PAIRS,), 0, N_NODES))
        idx = idx.at[-1].set(N_NODES - 1)  # guarantee dim_size == N_NODES (matches ppr_idx[-1]+1 semantics)
        inp[f'ppr_idx_{i}'] = idx
    # PPRGoMLP weights (all bias=False). Stored as [in, out] so forward is x @ W.
    inp['W0'] = jax.random.normal(ks[8], (D_FEAT, HIDDEN), dtype=jnp.float32) * (1.0 / np.sqrt(D_FEAT))
    inp['W1'] = jax.random.normal(ks[9], (HIDDEN, HIDDEN), dtype=jnp.float32) * (1.0 / np.sqrt(HIDDEN))
    inp['W2'] = jax.random.normal(ks[10], (HIDDEN, HIDDEN), dtype=jnp.float32) * (1.0 / np.sqrt(HIDDEN))
    # linear_squeeze: Linear(num_ppr, 1) with bias
    inp['W_squeeze'] = jax.random.normal(ks[11], (NUM_PPR, 1), dtype=jnp.float32) * (1.0 / np.sqrt(NUM_PPR))
    inp['b_squeeze'] = jnp.zeros((1,), dtype=jnp.float32)
    # linear_head: Linear(hidden, num_classes) with bias
    inp['W_head'] = jax.random.normal(ks[12], (HIDDEN, N_CLASSES), dtype=jnp.float32) * (1.0 / np.sqrt(HIDDEN))
    inp['b_head'] = jnp.zeros((N_CLASSES,), dtype=jnp.float32)
    return inp


def reference(X, ppr_scores_0, ppr_scores_1, ppr_scores_2,
              ppr_idx_0, ppr_idx_1, ppr_idx_2,
              W0, W1, W2, W_squeeze, b_squeeze, W_head, b_head):
    # PPRGoMLP (dropout=0.0 -> identity)
    embs = X @ W0
    embs = jax.nn.relu(embs) @ W1
    logits = jax.nn.relu(embs) @ W2  # [N_PAIRS, HIDDEN]

    props = []
    for scores, idx in ((ppr_scores_0, ppr_idx_0), (ppr_scores_1, ppr_idx_1), (ppr_scores_2, ppr_idx_2)):
        num_segments = N_NODES  # ppr_idx[-1] + 1; setup_inputs guarantees idx[-1] == N_NODES - 1
        prop = jax.ops.segment_sum(logits * scores[:, None], idx, num_segments=num_segments)
        props.append(prop)

    x_3d = jnp.stack(props, axis=-1)              # [N_NODES, HIDDEN, NUM_PPR]
    x_2d = (x_3d @ W_squeeze + b_squeeze)[..., 0]  # linear_squeeze + squeeze -> [N_NODES, HIDDEN]
    out = x_2d @ W_head + b_head                   # [N_NODES, N_CLASSES]
    return out

if __name__ == "__main__":
    import jax
    _d = setup_inputs()
    print(jax.jit(kernel)(*tuple(_d.values())))

</pallas_src>

<mosaic_0001>
#map = affine_map<(d0, d1) -> (0, 0)>
#map1 = affine_map<(d0, d1) -> (0, 0, 0)>
module attributes {stable_mosaic.version = 14 : i64} {
  func.func @_sc_scatter_body(%arg0: i32, %arg1: i32, %arg2: memref<320000x128xf32, #tpu.memory_space<hbm>>, %arg3: memref<320000x128xf32, #tpu.memory_space<hbm>>, %arg4: memref<320000x128xf32, #tpu.memory_space<hbm>>, %arg5: memref<2500x1x128xi32, #tpu.memory_space<hbm>>, %arg6: memref<2500x1x128xi32, #tpu.memory_space<hbm>>, %arg7: memref<2500x1x128xi32, #tpu.memory_space<hbm>>, %arg8: memref<2x10000x128xf32, #tpu.memory_space<hbm>>, %arg9: memref<128x128xf32, #tpu.memory_space<vmem>>, %arg10: memref<128xi32, #tpu.memory_space<vmem>>, %arg11: memref<128x128xf32, #tpu.memory_space<vmem>>, %arg12: memref<10112x128xf32, #tpu.memory_space<vmem_shared>>) attributes {dimension_semantics = [#tpu.dimension_semantics<core_parallel>, #tpu.dimension_semantics<subcore_parallel>], iteration_bounds = array<i64: 2, 16>, scalar_prefetch = 0 : i64, scratch_operands = 4 : i64, tpu.core_type = #tpu.core_type<sc_vector_subcore>, window_params = [{transform_indices = #map}, {transform_indices = #map}, {transform_indices = #map}, {transform_indices = #map1}, {transform_indices = #map1}, {transform_indices = #map1}, {transform_indices = #map1}]} {
    %mul3A = arith.constant 2 : i32
    %mul3A_0 = arith.muli %arg1, %mul3A : i32
    %add3A = arith.addi %mul3A_0, %arg0 : i32
    %scan3A = arith.constant 0 : i32
    %scan3A_1 = arith.constant 0 : i32
    %scan3A_2 = arith.constant 128 : i32
    %scan3A_3 = arith.addi %scan3A_1, %scan3A_2 : i32
    %scan3A_4 = arith.constant 1 : i32
    scf.for %scan3A_83 = %scan3A_1 to %scan3A_3 step %scan3A_4  : i32 {
      %broadcast_in_dim3A = arith.constant 0.000000e+00 : f32
      %broadcast_in_dim3A_84 = vector.broadcast %broadcast_in_dim3A : f32 to vector<16xf32>
      %swap3A = arith.index_cast %scan3A_83 : i32 to index
      %swap3A_85 = arith.constant 0 : index
      %swap3A_86 = tpu.vector_load %arg11[%swap3A, %swap3A_85] {strides = array<i32>} : memref<128x128xf32, #tpu.memory_space<vmem>>, vector<1x16xf32>,
      %swap3A_87 = vector.shape_cast %swap3A_86 : vector<1x16xf32> to vector<16xf32>
      %swap3A_88 = vector.shape_cast %broadcast_in_dim3A_84 : vector<16xf32> to vector<1x16xf32>
      tpu.vector_store %arg11[%swap3A, %swap3A_85], %swap3A_88 {strides = array<i32>} : memref<128x128xf32, #tpu.memory_space<vmem>>, vector<1x16xf32>,
      %broadcast_in_dim3A_89 = arith.constant 0.000000e+00 : f32
      %broadcast_in_dim3A_90 = vector.broadcast %broadcast_in_dim3A_89 : f32 to vector<16xf32>
      %swap3A_91 = arith.index_cast %scan3A_83 : i32 to index
      %swap3A_92 = arith.constant 16 : index
      %swap3A_93 = tpu.vector_load %arg11[%swap3A_91, %swap3A_92] {strides = array<i32>} : memref<128x128xf32, #tpu.memory_space<vmem>>, vector<1x16xf32>,
      %swap3A_94 = vector.shape_cast %swap3A_93 : vector<1x16xf32> to vector<16xf32>
      %swap3A_95 = vector.shape_cast %broadcast_in_dim3A_90 : vector<16xf32> to vector<1x16xf32>
      tpu.vector_store %arg11[%swap3A_91, %swap3A_92], %swap3A_95 {strides = array<i32>} : memref<128x128xf32, #tpu.memory_space<vmem>>, vector<1x16xf32>,
      %broadcast_in_dim3A_96 = arith.constant 0.000000e+00 : f32
      %broadcast_in_dim3A_97 = vector.broadcast %broadcast_in_dim3A_96 : f32 to vector<16xf32>
      %swap3A_98 = arith.index_cast %scan3A_83 : i32 to index
      %swap3A_99 = arith.constant 32 : index
      %swap3A_100 = tpu.vector_load %arg11[%swap3A_98, %swap3A_99] {strides = array<i32>} : memref<128x128xf32, #tpu.memory_space<vmem>>, vector<1x16xf32>,
      %swap3A_101 = vector.shape_cast %swap3A_100 : vector<1x16xf32> to vector<16xf32>
      %swap3A_102 = vector.shape_cast %broadcast_in_dim3A_97 : vector<16xf32> to vector<1x16xf32>
      tpu.vector_store %arg11[%swap3A_98, %swap3A_99], %swap3A_102 {strides = array<i32>} : memref<128x128xf32, #tpu.memory_space<vmem>>, vector<1x16xf32>,
      %broadcast_in_dim3A_103 = arith.constant 0.000000e+00 : f32
      %broadcast_in_dim3A_104 = vector.broadcast %broadcast_in_dim3A_103 : f32 to vector<16xf32>
      %swap3A_105 = arith.index_cast %scan3A_83 : i32 to index
      %swap3A_106 = arith.constant 48 : index
      %swap3A_107 = tpu.vector_load %arg11[%swap3A_105, %swap3A_106] {strides = array<i32>} : memref<128x128xf32, #tpu.memory_space<vmem>>, vector<1x16xf32>,
      %swap3A_108 = vector.shape_cast %swap3A_107 : vector<1x16xf32> to vector<16xf32>
      %swap3A_109 = vector.shape_cast %broadcast_in_dim3A_104 : vector<16xf32> to vector<1x16xf32>
      tpu.vector_store %arg11[%swap3A_105, %swap3A_106], %swap3A_109 {strides = array<i32>} : memref<128x128xf32, #tpu.memory_space<vmem>>, vector<1x16xf32>,
      %broadcast_in_dim3A_110 = arith.constant 0.000000e+00 : f32
      %broadcast_in_dim3A_111 = vector.broadcast %broadcast_in_dim3A_110 : f32 to vector<16xf32>
      %swap3A_112 = arith.index_cast %scan3A_83 : i32 to index
      %swap3A_113 = arith.constant 64 : index
      %swap3A_114 = tpu.vector_load %arg11[%swap3A_112, %swap3A_113] {strides = array<i32>} : memref<128x128xf32, #tpu.memory_space<vmem>>, vector<1x16xf32>,
      %swap3A_115 = vector.shape_cast %swap3A_114 : vector<1x16xf32> to vector<16xf32>
      %swap3A_116 = vector.shape_cast %broadcast_in_dim3A_111 : vector<16xf32> to vector<1x16xf32>
      tpu.vector_store %arg11[%swap3A_112, %swap3A_113], %swap3A_116 {strides = array<i32>} : memref<128x128xf32, #tpu.memory_space<vmem>>, vector<1x16xf32>,
      %broadcast_in_dim3A_117 = arith.constant 0.000000e+00 : f32
      %broadcast_in_dim3A_118 = vector.broadcast %broadcast_in_dim3A_117 : f32 to vector<16xf32>
      %swap3A_119 = arith.index_cast %scan3A_83 : i32 to index
      %swap3A_120 = arith.constant 80 : index
      %swap3A_121 = tpu.vector_load %arg11[%swap3A_119, %swap3A_120] {strides = array<i32>} : memref<128x128xf32, #tpu.memory_space<vmem>>, vector<1x16xf32>,
      %swap3A_122 = vector.shape_cast %swap3A_121 : vector<1x16xf32> to vector<16xf32>
      %swap3A_123 = vector.shape_cast %broadcast_in_dim3A_118 : vector<16xf32> to vector<1x16xf32>
      tpu.vector_store %arg11[%swap3A_119, %swap3A_120], %swap3A_123 {strides = array<i32>} : memref<128x128xf32, #tpu.memory_space<vmem>>, vector<1x16xf32>,
      %broadcast_in_dim3A_124 = arith.constant 0.000000e+00 : f32
      %broadcast_in_dim3A_125 = vector.broadcast %broadcast_in_dim3A_124 : f32 to vector<16xf32>
      %swap3A_126 = arith.index_cast %scan3A_83 : i32 to index
      %swap3A_127 = arith.constant 96 : index
      %swap3A_128 = tpu.vector_load %arg11[%swap3A_126, %swap3A_127] {strides = array<i32>} : memref<128x128xf32, #tpu.memory_space<vmem>>, vector<1x16xf32>,
      %swap3A_129 = vector.shape_cast %swap3A_128 : vector<1x16xf32> to vector<16xf32>
      %swap3A_130 = vector.shape_cast %broadcast_in_dim3A_125 : vector<16xf32> to vector<1x16xf32>
      tpu.vector_store %arg11[%swap3A_126, %swap3A_127], %swap3A_130 {strides = array<i32>} : memref<128x128xf32, #tpu.memory_space<vmem>>, vector<1x16xf32>,
      %broadcast_in_dim3A_131 = arith.constant 0.000000e+00 : f32
      %broadcast_in_dim3A_132 = vector.broadcast %broadcast_in_dim3A_131 : f32 to vector<16xf32>
      %swap3A_133 = arith.index_cast %scan3A_83 : i32 to index
      %swap3A_134 = arith.constant 112 : index
      %swap3A_135 = tpu.vector_load %arg11[%swap3A_133, %swap3A_134] {strides = array<i32>} : memref<128x128xf32, #tpu.memory_space<vmem>>, vector<1x16xf32>,
      %swap3A_136 = vector.shape_cast %swap3A_135 : vector<1x16xf32> to vector<16xf32>
      %swap3A_137 = vector.shape_cast %broadcast_in_dim3A_132 : vector<16xf32> to vector<1x16xf32>
      tpu.vector_store %arg11[%swap3A_133, %swap3A_134], %swap3A_137 {strides = array<i32>} : memref<128x128xf32, #tpu.memory_space<vmem>>, vector<1x16xf32>,
    }
    %scan3A_5 = arith.constant 128 : i32
    %add3A_6 = arith.constant 0 : i32
    %add3A_7 = arith.addi %arg1, %add3A_6 : i32
    %lt3A = arith.constant 79 : i32
    %lt3A_8 = arith.cmpi slt, %add3A_7, %lt3A : i32
    %convert_element_type3A = arith.extui %lt3A_8 : i1 to i32
    %cond3A = arith.constant 0 : i32
    %cond3A_9 = arith.cmpi ne, %convert_element_type3A, %cond3A : i32
    scf.if %cond3A_9 {
      %mul3A_83 = arith.constant 128 : i32
      %mul3A_84 = arith.muli %add3A_7, %mul3A_83 : i32
      "tpu.region"() ({
        %run_scoped3A = tpu.sem_alloc : memref<!tpu.dma_semaphore, #tpu.memory_space<semaphore_mem>>
        %dma_start3A = arith.constant 0 : i32
        %dma_start3A_85 = tpu.memref_slice %arg12[%mul3A_84, %dma_start3A] : memref<10112x128xf32, #tpu.memory_space<vmem_shared>> -> memref<128x128xf32, #tpu.memory_space<vmem_shared>>
        %dma_start3A_86 = arith.constant 0 : i32
        %dma_start3A_87 = tpu.memref_slice %arg12[%mul3A_84, %dma_start3A_86] : memref<10112x128xf32, #tpu.memory_space<vmem_shared>> -> memref<128x128xf32, #tpu.memory_space<vmem_shared>>
        tpu.enqueue_dma source(%arg11 : memref<128x128xf32, #tpu.memory_space<vmem>>) target(%dma_start3A_87 : memref<128x128xf32, #tpu.memory_space<vmem_shared>>) target_semaphore(%run_scoped3A : memref<!tpu.dma_semaphore, #tpu.memory_space<semaphore_mem>>)
        %dma_wait3A = arith.constant 0 : i32
        %dma_wait3A_88 = tpu.memref_slice %arg12[%mul3A_84, %dma_wait3A] : memref<10112x128xf32, #tpu.memory_space<vmem_shared>> -> memref<128x128xf32, #tpu.memory_space<vmem_shared>>
        %dma_wait3A_89 = arith.constant 0 : i32
        %dma_wait3A_90 = tpu.memref_slice %arg12[%mul3A_84, %dma_wait3A_89] : memref<10112x128xf32, #tpu.memory_space<vmem_shared>> -> memref<128x128xf32, #tpu.memory_space<vmem_shared>>
        tpu.wait_dma2 semaphore(%run_scoped3A : memref<!tpu.dma_semaphore, #tpu.memory_space<semaphore_mem>>) src(%arg11 : memref<128x128xf32, #tpu.memory_space<vmem>>) dst(%dma_wait3A_90 : memref<128x128xf32, #tpu.memory_space<vmem_shared>>)
        tpu.yield
      }) : () -> ()
    } else {
    }
    %add3A_10 = arith.constant 16 : i32
    %add3A_11 = arith.addi %arg1, %add3A_10 : i32
    %lt3A_12 = arith.constant 79 : i32
    %lt3A_13 = arith.cmpi slt, %add3A_11, %lt3A_12 : i32
    %convert_element_type3A_14 = arith.extui %lt3A_13 : i1 to i32
    %cond3A_15 = arith.constant 0 : i32
    %cond3A_16 = arith.cmpi ne, %convert_element_type3A_14, %cond3A_15 : i32
    scf.if %cond3A_16 {
      %mul3A_83 = arith.constant 128 : i32
      %mul3A_84 = arith.muli %add3A_11, %mul3A_83 : i32
      "tpu.region"() ({
        %run_scoped3A = tpu.sem_alloc : memref<!tpu.dma_semaphore, #tpu.memory_space<semaphore_mem>>
        %dma_start3A = arith.constant 0 : i32
        %dma_start3A_85 = tpu.memref_slice %arg12[%mul3A_84, %dma_start3A] : memref<10112x128xf32, #tpu.memory_space<vmem_shared>> -> memref<128x128xf32, #tpu.memory_space<vmem_shared>>
        %dma_start3A_86 = arith.constant 0 : i32
        %dma_start3A_87 = tpu.memref_slice %arg12[%mul3A_84, %dma_start3A_86] : memref<10112x128xf32, #tpu.memory_space<vmem_shared>> -> memref<128x128xf32, #tpu.memory_space<vmem_shared>>
        tpu.enqueue_dma source(%arg11 : memref<128x128xf32, #tpu.memory_space<vmem>>) target(%dma_start3A_87 : memref<128x128xf32, #tpu.memory_space<vmem_shared>>) target_semaphore(%run_scoped3A : memref<!tpu.dma_semaphore, #tpu.memory_space<semaphore_mem>>)
        %dma_wait3A = arith.constant 0 : i32
        %dma_wait3A_88 = tpu.memref_slice %arg12[%mul3A_84, %dma_wait3A] : memref<10112x128xf32, #tpu.memory_space<vmem_shared>> -> memref<128x128xf32, #tpu.memory_space<vmem_shared>>
        %dma_wait3A_89 = arith.constant 0 : i32
        %dma_wait3A_90 = tpu.memref_slice %arg12[%mul3A_84, %dma_wait3A_89] : memref<10112x128xf32, #tpu.memory_space<vmem_shared>> -> memref<128x128xf32, #tpu.memory_space<vmem_shared>>
        tpu.wait_dma2 semaphore(%run_scoped3A : memref<!tpu.dma_semaphore, #tpu.memory_space<semaphore_mem>>) src(%arg11 : memref<128x128xf32, #tpu.memory_space<vmem>>) dst(%dma_wait3A_90 : memref<128x128xf32, #tpu.memory_space<vmem_shared>>)
        tpu.yield
      }) : () -> ()
    } else {
    }
    %add3A_17 = arith.constant 32 : i32
    %add3A_18 = arith.addi %arg1, %add3A_17 : i32
    %lt3A_19 = arith.constant 79 : i32
    %lt3A_20 = arith.cmpi slt, %add3A_18, %lt3A_19 : i32
    %convert_element_type3A_21 = arith.extui %lt3A_20 : i1 to i32
    %cond3A_22 = arith.constant 0 : i32
    %cond3A_23 = arith.cmpi ne, %convert_element_type3A_21, %cond3A_22 : i32
    scf.if %cond3A_23 {
      %mul3A_83 = arith.constant 128 : i32
      %mul3A_84 = arith.muli %add3A_18, %mul3A_83 : i32
      "tpu.region"() ({
        %run_scoped3A = tpu.sem_alloc : memref<!tpu.dma_semaphore, #tpu.memory_space<semaphore_mem>>
        %dma_start3A = arith.constant 0 : i32
        %dma_start3A_85 = tpu.memref_slice %arg12[%mul3A_84, %dma_start3A] : memref<10112x128xf32, #tpu.memory_space<vmem_shared>> -> memref<128x128xf32, #tpu.memory_space<vmem_shared>>
        %dma_start3A_86 = arith.constant 0 : i32
        %dma_start3A_87 = tpu.memref_slice %arg12[%mul3A_84, %dma_start3A_86] : memref<10112x128xf32, #tpu.memory_space<vmem_shared>> -> memref<128x128xf32, #tpu.memory_space<vmem_shared>>
        tpu.enqueue_dma source(%arg11 : memref<128x128xf32, #tpu.memory_space<vmem>>) target(%dma_start3A_87 : memref<128x128xf32, #tpu.memory_space<vmem_shared>>) target_semaphore(%run_scoped3A : memref<!tpu.dma_semaphore, #tpu.memory_space<semaphore_mem>>)
        %dma_wait3A = arith.constant 0 : i32
        %dma_wait3A_88 = tpu.memref_slice %arg12[%mul3A_84, %dma_wait3A] : memref<10112x128xf32, #tpu.memory_space<vmem_shared>> -> memref<128x128xf32, #tpu.memory_space<vmem_shared>>
        %dma_wait3A_89 = arith.constant 0 : i32
        %dma_wait3A_90 = tpu.memref_slice %arg12[%mul3A_84, %dma_wait3A_89] : memref<10112x128xf32, #tpu.memory_space<vmem_shared>> -> memref<128x128xf32, #tpu.memory_space<vmem_shared>>
        tpu.wait_dma2 semaphore(%run_scoped3A : memref<!tpu.dma_semaphore, #tpu.memory_space<semaphore_mem>>) src(%arg11 : memref<128x128xf32, #tpu.memory_space<vmem>>) dst(%dma_wait3A_90 : memref<128x128xf32, #tpu.memory_space<vmem_shared>>)
        tpu.yield
      }) : () -> ()
    } else {
    }
    %add3A_24 = arith.constant 48 : i32
    %add3A_25 = arith.addi %arg1, %add3A_24 : i32
    %lt3A_26 = arith.constant 79 : i32
    %lt3A_27 = arith.cmpi slt, %add3A_25, %lt3A_26 : i32
    %convert_element_type3A_28 = arith.extui %lt3A_27 : i1 to i32
    %cond3A_29 = arith.constant 0 : i32
    %cond3A_30 = arith.cmpi ne, %convert_element_type3A_28, %cond3A_29 : i32
    scf.if %cond3A_30 {
      %mul3A_83 = arith.constant 128 : i32
      %mul3A_84 = arith.muli %add3A_25, %mul3A_83 : i32
      "tpu.region"() ({
        %run_scoped3A = tpu.sem_alloc : memref<!tpu.dma_semaphore, #tpu.memory_space<semaphore_mem>>
        %dma_start3A = arith.constant 0 : i32
        %dma_start3A_85 = tpu.memref_slice %arg12[%mul3A_84, %dma_start3A] : memref<10112x128xf32, #tpu.memory_space<vmem_shared>> -> memref<128x128xf32, #tpu.memory_space<vmem_shared>>
        %dma_start3A_86 = arith.constant 0 : i32
        %dma_start3A_87 = tpu.memref_slice %arg12[%mul3A_84, %dma_start3A_86] : memref<10112x128xf32, #tpu.memory_space<vmem_shared>> -> memref<128x128xf32, #tpu.memory_space<vmem_shared>>
        tpu.enqueue_dma source(%arg11 : memref<128x128xf32, #tpu.memory_space<vmem>>) target(%dma_start3A_87 : memref<128x128xf32, #tpu.memory_space<vmem_shared>>) target_semaphore(%run_scoped3A : memref<!tpu.dma_semaphore, #tpu.memory_space<semaphore_mem>>)
        %dma_wait3A = arith.constant 0 : i32
        %dma_wait3A_88 = tpu.memref_slice %arg12[%mul3A_84, %dma_wait3A] : memref<10112x128xf32, #tpu.memory_space<vmem_shared>> -> memref<128x128xf32, #tpu.memory_space<vmem_shared>>
        %dma_wait3A_89 = arith.constant 0 : i32
        %dma_wait3A_90 = tpu.memref_slice %arg12[%mul3A_84, %dma_wait3A_89] : memref<10112x128xf32, #tpu.memory_space<vmem_shared>> -> memref<128x128xf32, #tpu.memory_space<vmem_shared>>
        tpu.wait_dma2 semaphore(%run_scoped3A : memref<!tpu.dma_semaphore, #tpu.memory_space<semaphore_mem>>) src(%arg11 : memref<128x128xf32, #tpu.memory_space<vmem>>) dst(%dma_wait3A_90 : memref<128x128xf32, #tpu.memory_space<vmem_shared>>)
        tpu.yield
      }) : () -> ()
    } else {
    }
    %add3A_31 = arith.constant 64 : i32
    %add3A_32 = arith.addi %arg1, %add3A_31 : i32
    %lt3A_33 = arith.constant 79 : i32
    %lt3A_34 = arith.cmpi slt, %add3A_32, %lt3A_33 : i32
    %convert_element_type3A_35 = arith.extui %lt3A_34 : i1 to i32
    %cond3A_36 = arith.constant 0 : i32
    %cond3A_37 = arith.cmpi ne, %convert_element_type3A_35, %cond3A_36 : i32
    scf.if %cond3A_37 {
      %mul3A_83 = arith.constant 128 : i32
      %mul3A_84 = arith.muli %add3A_32, %mul3A_83 : i32
      "tpu.region"() ({
        %run_scoped3A = tpu.sem_alloc : memref<!tpu.dma_semaphore, #tpu.memory_space<semaphore_mem>>
        %dma_start3A = arith.constant 0 : i32
        %dma_start3A_85 = tpu.memref_slice %arg12[%mul3A_84, %dma_start3A] : memref<10112x128xf32, #tpu.memory_space<vmem_shared>> -> memref<128x128xf32, #tpu.memory_space<vmem_shared>>
        %dma_start3A_86 = arith.constant 0 : i32
        %dma_start3A_87 = tpu.memref_slice %arg12[%mul3A_84, %dma_start3A_86] : memref<10112x128xf32, #tpu.memory_space<vmem_shared>> -> memref<128x128xf32, #tpu.memory_space<vmem_shared>>
        tpu.enqueue_dma source(%arg11 : memref<128x128xf32, #tpu.memory_space<vmem>>) target(%dma_start3A_87 : memref<128x128xf32, #tpu.memory_space<vmem_shared>>) target_semaphore(%run_scoped3A : memref<!tpu.dma_semaphore, #tpu.memory_space<semaphore_mem>>)
        %dma_wait3A = arith.constant 0 : i32
        %dma_wait3A_88 = tpu.memref_slice %arg12[%mul3A_84, %dma_wait3A] : memref<10112x128xf32, #tpu.memory_space<vmem_shared>> -> memref<128x128xf32, #tpu.memory_space<vmem_shared>>
        %dma_wait3A_89 = arith.constant 0 : i32
        %dma_wait3A_90 = tpu.memref_slice %arg12[%mul3A_84, %dma_wait3A_89] : memref<10112x128xf32, #tpu.memory_space<vmem_shared>> -> memref<128x128xf32, #tpu.memory_space<vmem_shared>>
        tpu.wait_dma2 semaphore(%run_scoped3A : memref<!tpu.dma_semaphore, #tpu.memory_space<semaphore_mem>>) src(%arg11 : memref<128x128xf32, #tpu.memory_space<vmem>>) dst(%dma_wait3A_90 : memref<128x128xf32, #tpu.memory_space<vmem_shared>>)
        tpu.yield
      }) : () -> ()
    } else {
    }
    %barrier3A = arith.constant 0 : index
    tpu.barrier barrier_id(%barrier3A)
    %mul3A_38 = arith.constant 78 : i32
    %mul3A_39 = arith.muli %add3A, %mul3A_38 : i32
    %min3A = arith.constant 4 : i32
    %min3A_40 = arith.minsi %add3A, %min3A : i32
    %add3A_41 = arith.addi %mul3A_39, %min3A_40 : i32
    %lt3A_42 = arith.constant 4 : i32
    %lt3A_43 = arith.cmpi slt, %add3A, %lt3A_42 : i32
    %convert_element_type3A_44 = arith.extui %lt3A_43 : i1 to i32
    %add3A_45 = arith.constant 78 : i32
    %add3A_46 = arith.addi %add3A_45, %convert_element_type3A_44 : i32
    %while3A = arith.constant 0 : i32
    %while3A_47 = arith.constant 0 : i32
    %while3A_48 = arith.subi %add3A_46, %while3A_47 : i32
    %while3A_49 = arith.addi %while3A_47, %while3A_48 : i32
    %while3A_50 = arith.constant 1 : i32
    %while3A_51 = arith.divsi %while3A_48, %while3A_50 : i32
    %while3A_52 = arith.muli %while3A_51, %while3A_50 : i32
    %while3A_53 = arith.addi %while3A_47, %while3A_52 : i32
    %while3A_54 = arith.constant 1 : i32
    scf.for %while3A_83 = %while3A_47 to %while3A_53 step %while3A_54  : i32 {
      %add3A_84 = arith.addi %add3A_41, %while3A_83 : i32
      %run_scoped3A = arith.constant 0 : i32
      "tpu.region"() ({
        %run_scoped3A_87 = tpu.sem_alloc : memref<!tpu.dma_semaphore, #tpu.memory_space<semaphore_mem>>
        %dma_start3A = arith.constant 0 : i32
        %dma_start3A_88 = tpu.memref_slice %arg5[%add3A_84, %run_scoped3A, %dma_start3A] : memref<2500x1x128xi32, #tpu.memory_space<hbm>> -> memref<1x1x128xi32, #tpu.memory_space<hbm>>
        %dma_start3A_89 = tpu.memref_squeeze %dma_start3A_88 : memref<1x1x128xi32, #tpu.memory_space<hbm>> -> memref<128xi32, #tpu.memory_space<hbm>>
        %dma_start3A_90 = arith.constant 0 : i32
        %dma_start3A_91 = tpu.memref_slice %arg5[%add3A_84, %run_scoped3A, %dma_start3A_90] : memref<2500x1x128xi32, #tpu.memory_space<hbm>> -> memref<1x1x128xi32, #tpu.memory_space<hbm>>
        %dma_start3A_92 = tpu.memref_squeeze %dma_start3A_91 : memref<1x1x128xi32, #tpu.memory_space<hbm>> -> memref<128xi32, #tpu.memory_space<hbm>>
        tpu.enqueue_dma source(%dma_start3A_92 : memref<128xi32, #tpu.memory_space<hbm>>) target(%arg10 : memref<128xi32, #tpu.memory_space<vmem>>) target_semaphore(%run_scoped3A_87 : memref<!tpu.dma_semaphore, #tpu.memory_space<semaphore_mem>>)
        %dma_wait3A = arith.constant 0 : i32
        %dma_wait3A_93 = tpu.memref_slice %arg5[%add3A_84, %run_scoped3A, %dma_wait3A] : memref<2500x1x128xi32, #tpu.memory_space<hbm>> -> memref<1x1x128xi32, #tpu.memory_space<hbm>>
        %dma_wait3A_94 = tpu.memref_squeeze %dma_wait3A_93 : memref<1x1x128xi32, #tpu.memory_space<hbm>> -> memref<128xi32, #tpu.memory_space<hbm>>
        %dma_wait3A_95 = arith.constant 0 : i32
        %dma_wait3A_96 = tpu.memref_slice %arg5[%add3A_84, %run_scoped3A, %dma_wait3A_95] : memref<2500x1x128xi32, #tpu.memory_space<hbm>> -> memref<1x1x128xi32, #tpu.memory_space<hbm>>
        %dma_wait3A_97 = tpu.memref_squeeze %dma_wait3A_96 : memref<1x1x128xi32, #tpu.memory_space<hbm>> -> memref<128xi32, #tpu.memory_space<hbm>>
        tpu.wait_dma2 semaphore(%run_scoped3A_87 : memref<!tpu.dma_semaphore, #tpu.memory_space<semaphore_mem>>) src(%dma_wait3A_97 : memref<128xi32, #tpu.memory_space<hbm>>) dst(%arg10 : memref<128xi32, #tpu.memory_space<vmem>>)
        tpu.yield
      }) : () -> ()
      %mul3A_85 = arith.constant 128 : i32
      %mul3A_86 = arith.muli %add3A_84, %mul3A_85 : i32
      "tpu.region"() ({
        %run_scoped3A_87 = tpu.sem_alloc : memref<!tpu.dma_semaphore, #tpu.memory_space<semaphore_mem>>
        %dma_start3A = arith.constant 0 : i32
        %dma_start3A_88 = tpu.memref_slice %arg2[%mul3A_86, %dma_start3A] : memref<320000x128xf32, #tpu.memory_space<hbm>> -> memref<128x128xf32, #tpu.memory_space<hbm>>
        %dma_start3A_89 = arith.constant 0 : i32
        %dma_start3A_90 = tpu.memref_slice %arg2[%mul3A_86, %dma_start3A_89] : memref<320000x128xf32, #tpu.memory_space<hbm>> -> memref<128x128xf32, #tpu.memory_space<hbm>>
        tpu.enqueue_dma source(%dma_start3A_90 : memref<128x128xf32, #tpu.memory_space<hbm>>) target(%arg9 : memref<128x128xf32, #tpu.memory_space<vmem>>) target_semaphore(%run_scoped3A_87 : memref<!tpu.dma_semaphore, #tpu.memory_space<semaphore_mem>>)
        %dma_wait3A = arith.constant 0 : i32
        %dma_wait3A_91 = tpu.memref_slice %arg2[%mul3A_86, %dma_wait3A] : memref<320000x128xf32, #tpu.memory_space<hbm>> -> memref<128x128xf32, #tpu.memory_space<hbm>>
        %dma_wait3A_92 = arith.constant 0 : i32
        %dma_wait3A_93 = tpu.memref_slice %arg2[%mul3A_86, %dma_wait3A_92] : memref<320000x128xf32, #tpu.memory_space<hbm>> -> memref<128x128xf32, #tpu.memory_space<hbm>>
        tpu.wait_dma2 semaphore(%run_scoped3A_87 : memref<!tpu.dma_semaphore, #tpu.memory_space<semaphore_mem>>) src(%dma_wait3A_93 : memref<128x128xf32, #tpu.memory_space<hbm>>) dst(%arg9 : memref<128x128xf32, #tpu.memory_space<vmem>>)
        tpu.yield
      }) : () -> ()
      "tpu.region"() ({
        %run_scoped3A_87 = tpu.sem_alloc : memref<!tpu.dma_semaphore, #tpu.memory_space<semaphore_mem>>
        %dma_start3A = arith.constant 0 : i32
        %dma_start3A_88 = arith.constant 0 : i32
        %dma_start3A_89 = tpu.memref_slice %arg12[%dma_start3A, %dma_start3A_88] : memref<10112x128xf32, #tpu.memory_space<vmem_shared>> -> memref<10112x128xf32, #tpu.memory_space<vmem_shared>>
        tpu.enqueue_indirect_dma source(%arg9 : memref<128x128xf32, #tpu.memory_space<vmem>>) target(%dma_start3A_89 : memref<10112x128xf32, #tpu.memory_space<vmem_shared>>) offsets(%arg10 : memref<128xi32, #tpu.memory_space<vmem>>) semaphore(%run_scoped3A_87 : memref<!tpu.dma_semaphore, #tpu.memory_space<semaphore_mem>>) {add = true}
        %dma_wait3A = arith.constant 0 : i32
        %dma_wait3A_90 = arith.constant 0 : i32
        %dma_wait3A_91 = tpu.memref_slice %arg12[%dma_wait3A, %dma_wait3A_90] : memref<10112x128xf32, #tpu.memory_space<vmem_shared>> -> memref<10112x128xf32, #tpu.memory_space<vmem_shared>>
        tpu.wait_indirect_dma semaphore(%run_scoped3A_87 : memref<!tpu.dma_semaphore, #tpu.memory_space<semaphore_mem>>) src(%arg9 : memref<128x128xf32, #tpu.memory_space<vmem>>) dst(%dma_wait3A_91 : memref<10112x128xf32, #tpu.memory_space<vmem_shared>>)
        tpu.yield
      }) : () -> ()
    }
    %while3A_55 = arith.constant 1 : i32
    scf.for %while3A_83 = %while3A_53 to %while3A_49 step %while3A_55  : i32 {
      %add3A_84 = arith.addi %add3A_41, %while3A_83 : i32
      %run_scoped3A = arith.constant 0 : i32
      "tpu.region"() ({
        %run_scoped3A_87 = tpu.sem_alloc : memref<!tpu.dma_semaphore, #tpu.memory_space<semaphore_mem>>
        %dma_start3A = arith.constant 0 : i32
        %dma_start3A_88 = tpu.memref_slice %arg5[%add3A_84, %run_scoped3A, %dma_start3A] : memref<2500x1x128xi32, #tpu.memory_space<hbm>> -> memref<1x1x128xi32, #tpu.memory_space<hbm>>
        %dma_start3A_89 = tpu.memref_squeeze %dma_start3A_88 : memref<1x1x128xi32, #tpu.memory_space<hbm>> -> memref<128xi32, #tpu.memory_space<hbm>>
        %dma_start3A_90 = arith.constant 0 : i32
        %dma_start3A_91 = tpu.memref_slice %arg5[%add3A_84, %run_scoped3A, %dma_start3A_90] : memref<2500x1x128xi32, #tpu.memory_space<hbm>> -> memref<1x1x128xi32, #tpu.memory_space<hbm>>
        %dma_start3A_92 = tpu.memref_squeeze %dma_start3A_91 : memref<1x1x128xi32, #tpu.memory_space<hbm>> -> memref<128xi32, #tpu.memory_space<hbm>>
        tpu.enqueue_dma source(%dma_start3A_92 : memref<128xi32, #tpu.memory_space<hbm>>) target(%arg10 : memref<128xi32, #tpu.memory_space<vmem>>) target_semaphore(%run_scoped3A_87 : memref<!tpu.dma_semaphore, #tpu.memory_space<semaphore_mem>>)
        %dma_wait3A = arith.constant 0 : i32
        %dma_wait3A_93 = tpu.memref_slice %arg5[%add3A_84, %run_scoped3A, %dma_wait3A] : memref<2500x1x128xi32, #tpu.memory_space<hbm>> -> memref<1x1x128xi32, #tpu.memory_space<hbm>>
        %dma_wait3A_94 = tpu.memref_squeeze %dma_wait3A_93 : memref<1x1x128xi32, #tpu.memory_space<hbm>> -> memref<128xi32, #tpu.memory_space<hbm>>
        %dma_wait3A_95 = arith.constant 0 : i32
        %dma_wait3A_96 = tpu.memref_slice %arg5[%add3A_84, %run_scoped3A, %dma_wait3A_95] : memref<2500x1x128xi32, #tpu.memory_space<hbm>> -> memref<1x1x128xi32, #tpu.memory_space<hbm>>
        %dma_wait3A_97 = tpu.memref_squeeze %dma_wait3A_96 : memref<1x1x128xi32, #tpu.memory_space<hbm>> -> memref<128xi32, #tpu.memory_space<hbm>>
        tpu.wait_dma2 semaphore(%run_scoped3A_87 : memref<!tpu.dma_semaphore, #tpu.memory_space<semaphore_mem>>) src(%dma_wait3A_97 : memref<128xi32, #tpu.memory_space<hbm>>) dst(%arg10 : memref<128xi32, #tpu.memory_space<vmem>>)
        tpu.yield
      }) : () -> ()
      %mul3A_85 = arith.constant 128 : i32
      %mul3A_86 = arith.muli %add3A_84, %mul3A_85 : i32
      "tpu.region"() ({
        %run_scoped3A_87 = tpu.sem_alloc : memref<!tpu.dma_semaphore, #tpu.memory_space<semaphore_mem>>
        %dma_start3A = arith.constant 0 : i32
        %dma_start3A_88 = tpu.memref_slice %arg2[%mul3A_86, %dma_start3A] : memref<320000x128xf32, #tpu.memory_space<hbm>> -> memref<128x128xf32, #tpu.memory_space<hbm>>
        %dma_start3A_89 = arith.constant 0 : i32
        %dma_start3A_90 = tpu.memref_slice %arg2[%mul3A_86, %dma_start3A_89] : memref<320000x128xf32, #tpu.memory_space<hbm>> -> memref<128x128xf32, #tpu.memory_space<hbm>>
        tpu.enqueue_dma source(%dma_start3A_90 : memref<128x128xf32, #tpu.memory_space<hbm>>) target(%arg9 : memref<128x128xf32, #tpu.memory_space<vmem>>) target_semaphore(%run_scoped3A_87 : memref<!tpu.dma_semaphore, #tpu.memory_space<semaphore_mem>>)
        %dma_wait3A = arith.constant 0 : i32
        %dma_wait3A_91 = tpu.memref_slice %arg2[%mul3A_86, %dma_wait3A] : memref<320000x128xf32, #tpu.memory_space<hbm>> -> memref<128x128xf32, #tpu.memory_space<hbm>>
        %dma_wait3A_92 = arith.constant 0 : i32
        %dma_wait3A_93 = tpu.memref_slice %arg2[%mul3A_86, %dma_wait3A_92] : memref<320000x128xf32, #tpu.memory_space<hbm>> -> memref<128x128xf32, #tpu.memory_space<hbm>>
        tpu.wait_dma2 semaphore(%run_scoped3A_87 : memref<!tpu.dma_semaphore, #tpu.memory_space<semaphore_mem>>) src(%dma_wait3A_93 : memref<128x128xf32, #tpu.memory_space<hbm>>) dst(%arg9 : memref<128x128xf32, #tpu.memory_space<vmem>>)
        tpu.yield
      }) : () -> ()
      "tpu.region"() ({
        %run_scoped3A_87 = tpu.sem_alloc : memref<!tpu.dma_semaphore, #tpu.memory_space<semaphore_mem>>
        %dma_start3A = arith.constant 0 : i32
        %dma_start3A_88 = arith.constant 0 : i32
        %dma_start3A_89 = tpu.memref_slice %arg12[%dma_start3A, %dma_start3A_88] : memref<10112x128xf32, #tpu.memory_space<vmem_shared>> -> memref<10112x128xf32, #tpu.memory_space<vmem_shared>>
        tpu.enqueue_indirect_dma source(%arg9 : memref<128x128xf32, #tpu.memory_space<vmem>>) target(%dma_start3A_89 : memref<10112x128xf32, #tpu.memory_space<vmem_shared>>) offsets(%arg10 : memref<128xi32, #tpu.memory_space<vmem>>) semaphore(%run_scoped3A_87 : memref<!tpu.dma_semaphore, #tpu.memory_space<semaphore_mem>>) {add = true}
        %dma_wait3A = arith.constant 0 : i32
        %dma_wait3A_90 = arith.constant 0 : i32
        %dma_wait3A_91 = tpu.memref_slice %arg12[%dma_wait3A, %dma_wait3A_90] : memref<10112x128xf32, #tpu.memory_space<vmem_shared>> -> memref<10112x128xf32, #tpu.memory_space<vmem_shared>>
        tpu.wait_indirect_dma semaphore(%run_scoped3A_87 : memref<!tpu.dma_semaphore, #tpu.memory_space<semaphore_mem>>) src(%arg9 : memref<128x128xf32, #tpu.memory_space<vmem>>) dst(%dma_wait3A_91 : memref<10112x128xf32, #tpu.memory_space<vmem_shared>>)
        tpu.yield
      }) : () -> ()
    }
    %while3A_56 = arith.constant 0 : i32
    %while3A_57 = arith.constant 0 : i32
    %while3A_58 = arith.subi %add3A_46, %while3A_57 : i32
    %while3A_59 = arith.addi %while3A_57, %while3A_58 : i32
    %while3A_60 = arith.constant 1 : i32
    %while3A_61 = arith.divsi %while3A_58, %while3A_60 : i32
    %while3A_62 = arith.muli %while3A_61, %while3A_60 : i32
    %while3A_63 = arith.addi %while3A_57, %while3A_62 : i32
    %while3A_64 = arith.constant 1 : i32
    scf.for %while3A_83 = %while3A_57 to %while3A_63 step %while3A_64  : i32 {
      %add3A_84 = arith.addi %add3A_41, %while3A_83 : i32
      %run_scoped3A = arith.constant 0 : i32
      "tpu.region"() ({
        %run_scoped3A_87 = tpu.sem_alloc : memref<!tpu.dma_semaphore, #tpu.memory_space<semaphore_mem>>
        %dma_start3A = arith.constant 0 : i32
        %dma_start3A_88 = tpu.memref_slice %arg6[%add3A_84, %run_scoped3A, %dma_start3A] : memref<2500x1x128xi32, #tpu.memory_space<hbm>> -> memref<1x1x128xi32, #tpu.memory_space<hbm>>
        %dma_start3A_89 = tpu.memref_squeeze %dma_start3A_88 : memref<1x1x128xi32, #tpu.memory_space<hbm>> -> memref<128xi32, #tpu.memory_space<hbm>>
        %dma_start3A_90 = arith.constant 0 : i32
        %dma_start3A_91 = tpu.memref_slice %arg6[%add3A_84, %run_scoped3A, %dma_start3A_90] : memref<2500x1x128xi32, #tpu.memory_space<hbm>> -> memref<1x1x128xi32, #tpu.memory_space<hbm>>
        %dma_start3A_92 = tpu.memref_squeeze %dma_start3A_91 : memref<1x1x128xi32, #tpu.memory_space<hbm>> -> memref<128xi32, #tpu.memory_space<hbm>>
        tpu.enqueue_dma source(%dma_start3A_92 : memref<128xi32, #tpu.memory_space<hbm>>) target(%arg10 : memref<128xi32, #tpu.memory_space<vmem>>) target_semaphore(%run_scoped3A_87 : memref<!tpu.dma_semaphore, #tpu.memory_space<semaphore_mem>>)
        %dma_wait3A = arith.constant 0 : i32
        %dma_wait3A_93 = tpu.memref_slice %arg6[%add3A_84, %run_scoped3A, %dma_wait3A] : memref<2500x1x128xi32, #tpu.memory_space<hbm>> -> memref<1x1x128xi32, #tpu.memory_space<hbm>>
        %dma_wait3A_94 = tpu.memref_squeeze %dma_wait3A_93 : memref<1x1x128xi32, #tpu.memory_space<hbm>> -> memref<128xi32, #tpu.memory_space<hbm>>
        %dma_wait3A_95 = arith.constant 0 : i32
        %dma_wait3A_96 = tpu.memref_slice %arg6[%add3A_84, %run_scoped3A, %dma_wait3A_95] : memref<2500x1x128xi32, #tpu.memory_space<hbm>> -> memref<1x1x128xi32, #tpu.memory_space<hbm>>
        %dma_wait3A_97 = tpu.memref_squeeze %dma_wait3A_96 : memref<1x1x128xi32, #tpu.memory_space<hbm>> -> memref<128xi32, #tpu.memory_space<hbm>>
        tpu.wait_dma2 semaphore(%run_scoped3A_87 : memref<!tpu.dma_semaphore, #tpu.memory_space<semaphore_mem>>) src(%dma_wait3A_97 : memref<128xi32, #tpu.memory_space<hbm>>) dst(%arg10 : memref<128xi32, #tpu.memory_space<vmem>>)
        tpu.yield
      }) : () -> ()
      %mul3A_85 = arith.constant 128 : i32
      %mul3A_86 = arith.muli %add3A_84, %mul3A_85 : i32
      "tpu.region"() ({
        %run_scoped3A_87 = tpu.sem_alloc : memref<!tpu.dma_semaphore, #tpu.memory_space<semaphore_mem>>
        %dma_start3A = arith.constant 0 : i32
        %dma_start3A_88 = tpu.memref_slice %arg3[%mul3A_86, %dma_start3A] : memref<320000x128xf32, #tpu.memory_space<hbm>> -> memref<128x128xf32, #tpu.memory_space<hbm>>
        %dma_start3A_89 = arith.constant 0 : i32
        %dma_start3A_90 = tpu.memref_slice %arg3[%mul3A_86, %dma_start3A_89] : memref<320000x128xf32, #tpu.memory_space<hbm>> -> memref<128x128xf32, #tpu.memory_space<hbm>>
        tpu.enqueue_dma source(%dma_start3A_90 : memref<128x128xf32, #tpu.memory_space<hbm>>) target(%arg9 : memref<128x128xf32, #tpu.memory_space<vmem>>) target_semaphore(%run_scoped3A_87 : memref<!tpu.dma_semaphore, #tpu.memory_space<semaphore_mem>>)
        %dma_wait3A = arith.constant 0 : i32
        %dma_wait3A_91 = tpu.memref_slice %arg3[%mul3A_86, %dma_wait3A] : memref<320000x128xf32, #tpu.memory_space<hbm>> -> memref<128x128xf32, #tpu.memory_space<hbm>>
        %dma_wait3A_92 = arith.constant 0 : i32
        %dma_wait3A_93 = tpu.memref_slice %arg3[%mul3A_86, %dma_wait3A_92] : memref<320000x128xf32, #tpu.memory_space<hbm>> -> memref<128x128xf32, #tpu.memory_space<hbm>>
        tpu.wait_dma2 semaphore(%run_scoped3A_87 : memref<!tpu.dma_semaphore, #tpu.memory_space<semaphore_mem>>) src(%dma_wait3A_93 : memref<128x128xf32, #tpu.memory_space<hbm>>) dst(%arg9 : memref<128x128xf32, #tpu.memory_space<vmem>>)
        tpu.yield
      }) : () -> ()
      "tpu.region"() ({
        %run_scoped3A_87 = tpu.sem_alloc : memref<!tpu.dma_semaphore, #tpu.memory_space<semaphore_mem>>
        %dma_start3A = arith.constant 0 : i32
        %dma_start3A_88 = arith.constant 0 : i32
        %dma_start3A_89 = tpu.memref_slice %arg12[%dma_start3A, %dma_start3A_88] : memref<10112x128xf32, #tpu.memory_space<vmem_shared>> -> memref<10112x128xf32, #tpu.memory_space<vmem_shared>>
        tpu.enqueue_indirect_dma source(%arg9 : memref<128x128xf32, #tpu.memory_space<vmem>>) target(%dma_start3A_89 : memref<10112x128xf32, #tpu.memory_space<vmem_shared>>) offsets(%arg10 : memref<128xi32, #tpu.memory_space<vmem>>) semaphore(%run_scoped3A_87 : memref<!tpu.dma_semaphore, #tpu.memory_space<semaphore_mem>>) {add = true}
        %dma_wait3A = arith.constant 0 : i32
        %dma_wait3A_90 = arith.constant 0 : i32
        %dma_wait3A_91 = tpu.memref_slice %arg12[%dma_wait3A, %dma_wait3A_90] : memref<10112x128xf32, #tpu.memory_space<vmem_shared>> -> memref<10112x128xf32, #tpu.memory_space<vmem_shared>>
        tpu.wait_indirect_dma semaphore(%run_scoped3A_87 : memref<!tpu.dma_semaphore, #tpu.memory_space<semaphore_mem>>) src(%arg9 : memref<128x128xf32, #tpu.memory_space<vmem>>) dst(%dma_wait3A_91 : memref<10112x128xf32, #tpu.memory_space<vmem_shared>>)
        tpu.yield
      }) : () -> ()
    }
    %while3A_65 = arith.constant 1 : i32
    scf.for %while3A_83 = %while3A_63 to %while3A_59 step %while3A_65  : i32 {
      %add3A_84 = arith.addi %add3A_41, %while3A_83 : i32
      %run_scoped3A = arith.constant 0 : i32
      "tpu.region"() ({
        %run_scoped3A_87 = tpu.sem_alloc : memref<!tpu.dma_semaphore, #tpu.memory_space<semaphore_mem>>
        %dma_start3A = arith.constant 0 : i32
        %dma_start3A_88 = tpu.memref_slice %arg6[%add3A_84, %run_scoped3A, %dma_start3A] : memref<2500x1x128xi32, #tpu.memory_space<hbm>> -> memref<1x1x128xi32, #tpu.memory_space<hbm>>
        %dma_start3A_89 = tpu.memref_squeeze %dma_start3A_88 : memref<1x1x128xi32, #tpu.memory_space<hbm>> -> memref<128xi32, #tpu.memory_space<hbm>>
        %dma_start3A_90 = arith.constant 0 : i32
        %dma_start3A_91 = tpu.memref_slice %arg6[%add3A_84, %run_scoped3A, %dma_start3A_90] : memref<2500x1x128xi32, #tpu.memory_space<hbm>> -> memref<1x1x128xi32, #tpu.memory_space<hbm>>
        %dma_start3A_92 = tpu.memref_squeeze %dma_start3A_91 : memref<1x1x128xi32, #tpu.memory_space<hbm>> -> memref<128xi32, #tpu.memory_space<hbm>>
        tpu.enqueue_dma source(%dma_start3A_92 : memref<128xi32, #tpu.memory_space<hbm>>) target(%arg10 : memref<128xi32, #tpu.memory_space<vmem>>) target_semaphore(%run_scoped3A_87 : memref<!tpu.dma_semaphore, #tpu.memory_space<semaphore_mem>>)
        %dma_wait3A = arith.constant 0 : i32
        %dma_wait3A_93 = tpu.memref_slice %arg6[%add3A_84, %run_scoped3A, %dma_wait3A] : memref<2500x1x128xi32, #tpu.memory_space<hbm>> -> memref<1x1x128xi32, #tpu.memory_space<hbm>>
        %dma_wait3A_94 = tpu.memref_squeeze %dma_wait3A_93 : memref<1x1x128xi32, #tpu.memory_space<hbm>> -> memref<128xi32, #tpu.memory_space<hbm>>
        %dma_wait3A_95 = arith.constant 0 : i32
        %dma_wait3A_96 = tpu.memref_slice %arg6[%add3A_84, %run_scoped3A, %dma_wait3A_95] : memref<2500x1x128xi32, #tpu.memory_space<hbm>> -> memref<1x1x128xi32, #tpu.memory_space<hbm>>
        %dma_wait3A_97 = tpu.memref_squeeze %dma_wait3A_96 : memref<1x1x128xi32, #tpu.memory_space<hbm>> -> memref<128xi32, #tpu.memory_space<hbm>>
        tpu.wait_dma2 semaphore(%run_scoped3A_87 : memref<!tpu.dma_semaphore, #tpu.memory_space<semaphore_mem>>) src(%dma_wait3A_97 : memref<128xi32, #tpu.memory_space<hbm>>) dst(%arg10 : memref<128xi32, #tpu.memory_space<vmem>>)
        tpu.yield
      }) : () -> ()
      %mul3A_85 = arith.constant 128 : i32
      %mul3A_86 = arith.muli %add3A_84, %mul3A_85 : i32
      "tpu.region"() ({
        %run_scoped3A_87 = tpu.sem_alloc : memref<!tpu.dma_semaphore, #tpu.memory_space<semaphore_mem>>
        %dma_start3A = arith.constant 0 : i32
        %dma_start3A_88 = tpu.memref_slice %arg3[%mul3A_86, %dma_start3A] : memref<320000x128xf32, #tpu.memory_space<hbm>> -> memref<128x128xf32, #tpu.memory_space<hbm>>
        %dma_start3A_89 = arith.constant 0 : i32
        %dma_start3A_90 = tpu.memref_slice %arg3[%mul3A_86, %dma_start3A_89] : memref<320000x128xf32, #tpu.memory_space<hbm>> -> memref<128x128xf32, #tpu.memory_space<hbm>>
        tpu.enqueue_dma source(%dma_start3A_90 : memref<128x128xf32, #tpu.memory_space<hbm>>) target(%arg9 : memref<128x128xf32, #tpu.memory_space<vmem>>) target_semaphore(%run_scoped3A_87 : memref<!tpu.dma_semaphore, #tpu.memory_space<semaphore_mem>>)
        %dma_wait3A = arith.constant 0 : i32
        %dma_wait3A_91 = tpu.memref_slice %arg3[%mul3A_86, %dma_wait3A] : memref<320000x128xf32, #tpu.memory_space<hbm>> -> memref<128x128xf32, #tpu.memory_space<hbm>>
        %dma_wait3A_92 = arith.constant 0 : i32
        %dma_wait3A_93 = tpu.memref_slice %arg3[%mul3A_86, %dma_wait3A_92] : memref<320000x128xf32, #tpu.memory_space<hbm>> -> memref<128x128xf32, #tpu.memory_space<hbm>>
        tpu.wait_dma2 semaphore(%run_scoped3A_87 : memref<!tpu.dma_semaphore, #tpu.memory_space<semaphore_mem>>) src(%dma_wait3A_93 : memref<128x128xf32, #tpu.memory_space<hbm>>) dst(%arg9 : memref<128x128xf32, #tpu.memory_space<vmem>>)
        tpu.yield
      }) : () -> ()
      "tpu.region"() ({
        %run_scoped3A_87 = tpu.sem_alloc : memref<!tpu.dma_semaphore, #tpu.memory_space<semaphore_mem>>
        %dma_start3A = arith.constant 0 : i32
        %dma_start3A_88 = arith.constant 0 : i32
        %dma_start3A_89 = tpu.memref_slice %arg12[%dma_start3A, %dma_start3A_88] : memref<10112x128xf32, #tpu.memory_space<vmem_shared>> -> memref<10112x128xf32, #tpu.memory_space<vmem_shared>>
        tpu.enqueue_indirect_dma source(%arg9 : memref<128x128xf32, #tpu.memory_space<vmem>>) target(%dma_start3A_89 : memref<10112x128xf32, #tpu.memory_space<vmem_shared>>) offsets(%arg10 : memref<128xi32, #tpu.memory_space<vmem>>) semaphore(%run_scoped3A_87 : memref<!tpu.dma_semaphore, #tpu.memory_space<semaphore_mem>>) {add = true}
        %dma_wait3A = arith.constant 0 : i32
        %dma_wait3A_90 = arith.constant 0 : i32
        %dma_wait3A_91 = tpu.memref_slice %arg12[%dma_wait3A, %dma_wait3A_90] : memref<10112x128xf32, #tpu.memory_space<vmem_shared>> -> memref<10112x128xf32, #tpu.memory_space<vmem_shared>>
        tpu.wait_indirect_dma semaphore(%run_scoped3A_87 : memref<!tpu.dma_semaphore, #tpu.memory_space<semaphore_mem>>) src(%arg9 : memref<128x128xf32, #tpu.memory_space<vmem>>) dst(%dma_wait3A_91 : memref<10112x128xf32, #tpu.memory_space<vmem_shared>>)
        tpu.yield
      }) : () -> ()
    }
    %while3A_66 = arith.constant 0 : i32
    %while3A_67 = arith.constant 0 : i32
    %while3A_68 = arith.subi %add3A_46, %while3A_67 : i32
    %while3A_69 = arith.addi %while3A_67, %while3A_68 : i32
    %while3A_70 = arith.constant 1 : i32
    %while3A_71 = arith.divsi %while3A_68, %while3A_70 : i32
    %while3A_72 = arith.muli %while3A_71, %while3A_70 : i32
    %while3A_73 = arith.addi %while3A_67, %while3A_72 : i32
    %while3A_74 = arith.constant 1 : i32
    scf.for %while3A_83 = %while3A_67 to %while3A_73 step %while3A_74  : i32 {
      %add3A_84 = arith.addi %add3A_41, %while3A_83 : i32
      %run_scoped3A = arith.constant 0 : i32
      "tpu.region"() ({
        %run_scoped3A_87 = tpu.sem_alloc : memref<!tpu.dma_semaphore, #tpu.memory_space<semaphore_mem>>
        %dma_start3A = arith.constant 0 : i32
        %dma_start3A_88 = tpu.memref_slice %arg7[%add3A_84, %run_scoped3A, %dma_start3A] : memref<2500x1x128xi32, #tpu.memory_space<hbm>> -> memref<1x1x128xi32, #tpu.memory_space<hbm>>
        %dma_start3A_89 = tpu.memref_squeeze %dma_start3A_88 : memref<1x1x128xi32, #tpu.memory_space<hbm>> -> memref<128xi32, #tpu.memory_space<hbm>>
        %dma_start3A_90 = arith.constant 0 : i32
        %dma_start3A_91 = tpu.memref_slice %arg7[%add3A_84, %run_scoped3A, %dma_start3A_90] : memref<2500x1x128xi32, #tpu.memory_space<hbm>> -> memref<1x1x128xi32, #tpu.memory_space<hbm>>
        %dma_start3A_92 = tpu.memref_squeeze %dma_start3A_91 : memref<1x1x128xi32, #tpu.memory_space<hbm>> -> memref<128xi32, #tpu.memory_space<hbm>>
        tpu.enqueue_dma source(%dma_start3A_92 : memref<128xi32, #tpu.memory_space<hbm>>) target(%arg10 : memref<128xi32, #tpu.memory_space<vmem>>) target_semaphore(%run_scoped3A_87 : memref<!tpu.dma_semaphore, #tpu.memory_space<semaphore_mem>>)
        %dma_wait3A = arith.constant 0 : i32
        %dma_wait3A_93 = tpu.memref_slice %arg7[%add3A_84, %run_scoped3A, %dma_wait3A] : memref<2500x1x128xi32, #tpu.memory_space<hbm>> -> memref<1x1x128xi32, #tpu.memory_space<hbm>>
        %dma_wait3A_94 = tpu.memref_squeeze %dma_wait3A_93 : memref<1x1x128xi32, #tpu.memory_space<hbm>> -> memref<128xi32, #tpu.memory_space<hbm>>
        %dma_wait3A_95 = arith.constant 0 : i32
        %dma_wait3A_96 = tpu.memref_slice %arg7[%add3A_84, %run_scoped3A, %dma_wait3A_95] : memref<2500x1x128xi32, #tpu.memory_space<hbm>> -> memref<1x1x128xi32, #tpu.memory_space<hbm>>
        %dma_wait3A_97 = tpu.memref_squeeze %dma_wait3A_96 : memref<1x1x128xi32, #tpu.memory_space<hbm>> -> memref<128xi32, #tpu.memory_space<hbm>>
        tpu.wait_dma2 semaphore(%run_scoped3A_87 : memref<!tpu.dma_semaphore, #tpu.memory_space<semaphore_mem>>) src(%dma_wait3A_97 : memref<128xi32, #tpu.memory_space<hbm>>) dst(%arg10 : memref<128xi32, #tpu.memory_space<vmem>>)
        tpu.yield
      }) : () -> ()
      %mul3A_85 = arith.constant 128 : i32
      %mul3A_86 = arith.muli %add3A_84, %mul3A_85 : i32
      "tpu.region"() ({
        %run_scoped3A_87 = tpu.sem_alloc : memref<!tpu.dma_semaphore, #tpu.memory_space<semaphore_mem>>
        %dma_start3A = arith.constant 0 : i32
        %dma_start3A_88 = tpu.memref_slice %arg4[%mul3A_86, %dma_start3A] : memref<320000x128xf32, #tpu.memory_space<hbm>> -> memref<128x128xf32, #tpu.memory_space<hbm>>
        %dma_start3A_89 = arith.constant 0 : i32
        %dma_start3A_90 = tpu.memref_slice %arg4[%mul3A_86, %dma_start3A_89] : memref<320000x128xf32, #tpu.memory_space<hbm>> -> memref<128x128xf32, #tpu.memory_space<hbm>>
        tpu.enqueue_dma source(%dma_start3A_90 : memref<128x128xf32, #tpu.memory_space<hbm>>) target(%arg9 : memref<128x128xf32, #tpu.memory_space<vmem>>) target_semaphore(%run_scoped3A_87 : memref<!tpu.dma_semaphore, #tpu.memory_space<semaphore_mem>>)
        %dma_wait3A = arith.constant 0 : i32
        %dma_wait3A_91 = tpu.memref_slice %arg4[%mul3A_86, %dma_wait3A] : memref<320000x128xf32, #tpu.memory_space<hbm>> -> memref<128x128xf32, #tpu.memory_space<hbm>>
        %dma_wait3A_92 = arith.constant 0 : i32
        %dma_wait3A_93 = tpu.memref_slice %arg4[%mul3A_86, %dma_wait3A_92] : memref<320000x128xf32, #tpu.memory_space<hbm>> -> memref<128x128xf32, #tpu.memory_space<hbm>>
        tpu.wait_dma2 semaphore(%run_scoped3A_87 : memref<!tpu.dma_semaphore, #tpu.memory_space<semaphore_mem>>) src(%dma_wait3A_93 : memref<128x128xf32, #tpu.memory_space<hbm>>) dst(%arg9 : memref<128x128xf32, #tpu.memory_space<vmem>>)
        tpu.yield
      }) : () -> ()
      "tpu.region"() ({
        %run_scoped3A_87 = tpu.sem_alloc : memref<!tpu.dma_semaphore, #tpu.memory_space<semaphore_mem>>
        %dma_start3A = arith.constant 0 : i32
        %dma_start3A_88 = arith.constant 0 : i32
        %dma_start3A_89 = tpu.memref_slice %arg12[%dma_start3A, %dma_start3A_88] : memref<10112x128xf32, #tpu.memory_space<vmem_shared>> -> memref<10112x128xf32, #tpu.memory_space<vmem_shared>>
        tpu.enqueue_indirect_dma source(%arg9 : memref<128x128xf32, #tpu.memory_space<vmem>>) target(%dma_start3A_89 : memref<10112x128xf32, #tpu.memory_space<vmem_shared>>) offsets(%arg10 : memref<128xi32, #tpu.memory_space<vmem>>) semaphore(%run_scoped3A_87 : memref<!tpu.dma_semaphore, #tpu.memory_space<semaphore_mem>>) {add = true}
        %dma_wait3A = arith.constant 0 : i32
        %dma_wait3A_90 = arith.constant 0 : i32
        %dma_wait3A_91 = tpu.memref_slice %arg12[%dma_wait3A, %dma_wait3A_90] : memref<10112x128xf32, #tpu.memory_space<vmem_shared>> -> memref<10112x128xf32, #tpu.memory_space<vmem_shared>>
        tpu.wait_indirect_dma semaphore(%run_scoped3A_87 : memref<!tpu.dma_semaphore, #tpu.memory_space<semaphore_mem>>) src(%arg9 : memref<128x128xf32, #tpu.memory_space<vmem>>) dst(%dma_wait3A_91 : memref<10112x128xf32, #tpu.memory_space<vmem_shared>>)
        tpu.yield
      }) : () -> ()
    }
    %while3A_75 = arith.constant 1 : i32
    scf.for %while3A_83 = %while3A_73 to %while3A_69 step %while3A_75  : i32 {
      %add3A_84 = arith.addi %add3A_41, %while3A_83 : i32
      %run_scoped3A = arith.constant 0 : i32
      "tpu.region"() ({
        %run_scoped3A_87 = tpu.sem_alloc : memref<!tpu.dma_semaphore, #tpu.memory_space<semaphore_mem>>
        %dma_start3A = arith.constant 0 : i32
        %dma_start3A_88 = tpu.memref_slice %arg7[%add3A_84, %run_scoped3A, %dma_start3A] : memref<2500x1x128xi32, #tpu.memory_space<hbm>> -> memref<1x1x128xi32, #tpu.memory_space<hbm>>
        %dma_start3A_89 = tpu.memref_squeeze %dma_start3A_88 : memref<1x1x128xi32, #tpu.memory_space<hbm>> -> memref<128xi32, #tpu.memory_space<hbm>>
        %dma_start3A_90 = arith.constant 0 : i32
        %dma_start3A_91 = tpu.memref_slice %arg7[%add3A_84, %run_scoped3A, %dma_start3A_90] : memref<2500x1x128xi32, #tpu.memory_space<hbm>> -> memref<1x1x128xi32, #tpu.memory_space<hbm>>
        %dma_start3A_92 = tpu.memref_squeeze %dma_start3A_91 : memref<1x1x128xi32, #tpu.memory_space<hbm>> -> memref<128xi32, #tpu.memory_space<hbm>>
        tpu.enqueue_dma source(%dma_start3A_92 : memref<128xi32, #tpu.memory_space<hbm>>) target(%arg10 : memref<128xi32, #tpu.memory_space<vmem>>) target_semaphore(%run_scoped3A_87 : memref<!tpu.dma_semaphore, #tpu.memory_space<semaphore_mem>>)
        %dma_wait3A = arith.constant 0 : i32
        %dma_wait3A_93 = tpu.memref_slice %arg7[%add3A_84, %run_scoped3A, %dma_wait3A] : memref<2500x1x128xi32, #tpu.memory_space<hbm>> -> memref<1x1x128xi32, #tpu.memory_space<hbm>>
        %dma_wait3A_94 = tpu.memref_squeeze %dma_wait3A_93 : memref<1x1x128xi32, #tpu.memory_space<hbm>> -> memref<128xi32, #tpu.memory_space<hbm>>
        %dma_wait3A_95 = arith.constant 0 : i32
        %dma_wait3A_96 = tpu.memref_slice %arg7[%add3A_84, %run_scoped3A, %dma_wait3A_95] : memref<2500x1x128xi32, #tpu.memory_space<hbm>> -> memref<1x1x128xi32, #tpu.memory_space<hbm>>
        %dma_wait3A_97 = tpu.memref_squeeze %dma_wait3A_96 : memref<1x1x128xi32, #tpu.memory_space<hbm>> -> memref<128xi32, #tpu.memory_space<hbm>>
        tpu.wait_dma2 semaphore(%run_scoped3A_87 : memref<!tpu.dma_semaphore, #tpu.memory_space<semaphore_mem>>) src(%dma_wait3A_97 : memref<128xi32, #tpu.memory_space<hbm>>) dst(%arg10 : memref<128xi32, #tpu.memory_space<vmem>>)
        tpu.yield
      }) : () -> ()
      %mul3A_85 = arith.constant 128 : i32
      %mul3A_86 = arith.muli %add3A_84, %mul3A_85 : i32
      "tpu.region"() ({
        %run_scoped3A_87 = tpu.sem_alloc : memref<!tpu.dma_semaphore, #tpu.memory_space<semaphore_mem>>
        %dma_start3A = arith.constant 0 : i32
        %dma_start3A_88 = tpu.memref_slice %arg4[%mul3A_86, %dma_start3A] : memref<320000x128xf32, #tpu.memory_space<hbm>> -> memref<128x128xf32, #tpu.memory_space<hbm>>
        %dma_start3A_89 = arith.constant 0 : i32
        %dma_start3A_90 = tpu.memref_slice %arg4[%mul3A_86, %dma_start3A_89] : memref<320000x128xf32, #tpu.memory_space<hbm>> -> memref<128x128xf32, #tpu.memory_space<hbm>>
        tpu.enqueue_dma source(%dma_start3A_90 : memref<128x128xf32, #tpu.memory_space<hbm>>) target(%arg9 : memref<128x128xf32, #tpu.memory_space<vmem>>) target_semaphore(%run_scoped3A_87 : memref<!tpu.dma_semaphore, #tpu.memory_space<semaphore_mem>>)
        %dma_wait3A = arith.constant 0 : i32
        %dma_wait3A_91 = tpu.memref_slice %arg4[%mul3A_86, %dma_wait3A] : memref<320000x128xf32, #tpu.memory_space<hbm>> -> memref<128x128xf32, #tpu.memory_space<hbm>>
        %dma_wait3A_92 = arith.constant 0 : i32
        %dma_wait3A_93 = tpu.memref_slice %arg4[%mul3A_86, %dma_wait3A_92] : memref<320000x128xf32, #tpu.memory_space<hbm>> -> memref<128x128xf32, #tpu.memory_space<hbm>>
        tpu.wait_dma2 semaphore(%run_scoped3A_87 : memref<!tpu.dma_semaphore, #tpu.memory_space<semaphore_mem>>) src(%dma_wait3A_93 : memref<128x128xf32, #tpu.memory_space<hbm>>) dst(%arg9 : memref<128x128xf32, #tpu.memory_space<vmem>>)
        tpu.yield
      }) : () -> ()
      "tpu.region"() ({
        %run_scoped3A_87 = tpu.sem_alloc : memref<!tpu.dma_semaphore, #tpu.memory_space<semaphore_mem>>
        %dma_start3A = arith.constant 0 : i32
        %dma_start3A_88 = arith.constant 0 : i32
        %dma_start3A_89 = tpu.memref_slice %arg12[%dma_start3A, %dma_start3A_88] : memref<10112x128xf32, #tpu.memory_space<vmem_shared>> -> memref<10112x128xf32, #tpu.memory_space<vmem_shared>>
        tpu.enqueue_indirect_dma source(%arg9 : memref<128x128xf32, #tpu.memory_space<vmem>>) target(%dma_start3A_89 : memref<10112x128xf32, #tpu.memory_space<vmem_shared>>) offsets(%arg10 : memref<128xi32, #tpu.memory_space<vmem>>) semaphore(%run_scoped3A_87 : memref<!tpu.dma_semaphore, #tpu.memory_space<semaphore_mem>>) {add = true}
        %dma_wait3A = arith.constant 0 : i32
        %dma_wait3A_90 = arith.constant 0 : i32
        %dma_wait3A_91 = tpu.memref_slice %arg12[%dma_wait3A, %dma_wait3A_90] : memref<10112x128xf32, #tpu.memory_space<vmem_shared>> -> memref<10112x128xf32, #tpu.memory_space<vmem_shared>>
        tpu.wait_indirect_dma semaphore(%run_scoped3A_87 : memref<!tpu.dma_semaphore, #tpu.memory_space<semaphore_mem>>) src(%arg9 : memref<128x128xf32, #tpu.memory_space<vmem>>) dst(%dma_wait3A_91 : memref<10112x128xf32, #tpu.memory_space<vmem_shared>>)
        tpu.yield
      }) : () -> ()
    }
    %barrier3A_76 = arith.constant 0 : index
    tpu.barrier barrier_id(%barrier3A_76)
    %mul3A_77 = arith.constant 624 : i32
    %mul3A_78 = arith.muli %arg1, %mul3A_77 : i32
    "tpu.region"() ({
      %run_scoped3A = tpu.sem_alloc : memref<!tpu.dma_semaphore, #tpu.memory_space<semaphore_mem>>
      %dma_start3A = arith.constant 0 : i32
      %dma_start3A_83 = arith.constant 0 : i32
      %dma_start3A_84 = tpu.memref_slice %arg8[%arg0, %dma_start3A, %dma_start3A_83] : memref<2x10000x128xf32, #tpu.memory_space<hbm>> -> memref<1x10000x128xf32, #tpu.memory_space<hbm>>
      %dma_start3A_85 = tpu.memref_squeeze %dma_start3A_84 : memref<1x10000x128xf32, #tpu.memory_space<hbm>> -> memref<10000x128xf32, #tpu.memory_space<hbm>>
      %dma_start3A_86 = arith.constant 0 : i32
      %dma_start3A_87 = tpu.memref_slice %dma_start3A_85[%mul3A_78, %dma_start3A_86] : memref<10000x128xf32, #tpu.memory_space<hbm>> -> memref<624x128xf32, #tpu.memory_space<hbm>>
      %dma_start3A_88 = arith.constant 0 : i32
      %dma_start3A_89 = tpu.memref_slice %arg12[%mul3A_78, %dma_start3A_88] : memref<10112x128xf32, #tpu.memory_space<vmem_shared>> -> memref<624x128xf32, #tpu.memory_space<vmem_shared>>
      tpu.enqueue_dma source(%dma_start3A_89 : memref<624x128xf32, #tpu.memory_space<vmem_shared>>) target(%dma_start3A_87 : memref<624x128xf32, #tpu.memory_space<hbm>>) target_semaphore(%run_scoped3A : memref<!tpu.dma_semaphore, #tpu.memory_space<semaphore_mem>>)
      %dma_wait3A = arith.constant 0 : i32
      %dma_wait3A_90 = arith.constant 0 : i32
      %dma_wait3A_91 = tpu.memref_slice %arg8[%arg0, %dma_wait3A, %dma_wait3A_90] : memref<2x10000x128xf32, #tpu.memory_space<hbm>> -> memref<1x10000x128xf32, #tpu.memory_space<hbm>>
      %dma_wait3A_92 = tpu.memref_squeeze %dma_wait3A_91 : memref<1x10000x128xf32, #tpu.memory_space<hbm>> -> memref<10000x128xf32, #tpu.memory_space<hbm>>
      %dma_wait3A_93 = arith.constant 0 : i32
      %dma_wait3A_94 = tpu.memref_slice %dma_wait3A_92[%mul3A_78, %dma_wait3A_93] : memref<10000x128xf32, #tpu.memory_space<hbm>> -> memref<624x128xf32, #tpu.memory_space<hbm>>
      %dma_wait3A_95 = arith.constant 0 : i32
      %dma_wait3A_96 = tpu.memref_slice %arg12[%mul3A_78, %dma_wait3A_95] : memref<10112x128xf32, #tpu.memory_space<vmem_shared>> -> memref<624x128xf32, #tpu.memory_space<vmem_shared>>
      tpu.wait_dma2 semaphore(%run_scoped3A : memref<!tpu.dma_semaphore, #tpu.memory_space<semaphore_mem>>) src(%dma_wait3A_96 : memref<624x128xf32, #tpu.memory_space<vmem_shared>>) dst(%dma_wait3A_94 : memref<624x128xf32, #tpu.memory_space<hbm>>)
      tpu.yield
    }) : () -> ()
    %eq3A = arith.constant 15 : i32
    %eq3A_79 = arith.cmpi eq, %arg1, %eq3A : i32
    %convert_element_type3A_80 = arith.extui %eq3A_79 : i1 to i32
    %cond3A_81 = arith.constant 0 : i32
    %cond3A_82 = arith.cmpi ne, %convert_element_type3A_80, %cond3A_81 : i32
    scf.if %cond3A_82 {
      "tpu.region"() ({
        %run_scoped3A = tpu.sem_alloc : memref<!tpu.dma_semaphore, #tpu.memory_space<semaphore_mem>>
        %dma_start3A = arith.constant 0 : i32
        %dma_start3A_83 = arith.constant 0 : i32
        %dma_start3A_84 = tpu.memref_slice %arg8[%arg0, %dma_start3A, %dma_start3A_83] : memref<2x10000x128xf32, #tpu.memory_space<hbm>> -> memref<1x10000x128xf32, #tpu.memory_space<hbm>>
        %dma_start3A_85 = tpu.memref_squeeze %dma_start3A_84 : memref<1x10000x128xf32, #tpu.memory_space<hbm>> -> memref<10000x128xf32, #tpu.memory_space<hbm>>
        %dma_start3A_86 = arith.constant 9984 : i32
        %dma_start3A_87 = arith.constant 0 : i32
        %dma_start3A_88 = tpu.memref_slice %dma_start3A_85[%dma_start3A_86, %dma_start3A_87] : memref<10000x128xf32, #tpu.memory_space<hbm>> -> memref<16x128xf32, #tpu.memory_space<hbm>>
        %dma_start3A_89 = arith.constant 9984 : i32
        %dma_start3A_90 = arith.constant 0 : i32
        %dma_start3A_91 = tpu.memref_slice %arg12[%dma_start3A_89, %dma_start3A_90] : memref<10112x128xf32, #tpu.memory_space<vmem_shared>> -> memref<16x128xf32, #tpu.memory_space<vmem_shared>>
        tpu.enqueue_dma source(%dma_start3A_91 : memref<16x128xf32, #tpu.memory_space<vmem_shared>>) target(%dma_start3A_88 : memref<16x128xf32, #tpu.memory_space<hbm>>) target_semaphore(%run_scoped3A : memref<!tpu.dma_semaphore, #tpu.memory_space<semaphore_mem>>)
        %dma_wait3A = arith.constant 0 : i32
        %dma_wait3A_92 = arith.constant 0 : i32
        %dma_wait3A_93 = tpu.memref_slice %arg8[%arg0, %dma_wait3A, %dma_wait3A_92] : memref<2x10000x128xf32, #tpu.memory_space<hbm>> -> memref<1x10000x128xf32, #tpu.memory_space<hbm>>
        %dma_wait3A_94 = tpu.memref_squeeze %dma_wait3A_93 : memref<1x10000x128xf32, #tpu.memory_space<hbm>> -> memref<10000x128xf32, #tpu.memory_space<hbm>>
        %dma_wait3A_95 = arith.constant 9984 : i32
        %dma_wait3A_96 = arith.constant 0 : i32
        %dma_wait3A_97 = tpu.memref_slice %dma_wait3A_94[%dma_wait3A_95, %dma_wait3A_96] : memref<10000x128xf32, #tpu.memory_space<hbm>> -> memref<16x128xf32, #tpu.memory_space<hbm>>
        %dma_wait3A_98 = arith.constant 9984 : i32
        %dma_wait3A_99 = arith.constant 0 : i32
        %dma_wait3A_100 = tpu.memref_slice %arg12[%dma_wait3A_98, %dma_wait3A_99] : memref<10112x128xf32, #tpu.memory_space<vmem_shared>> -> memref<16x128xf32, #tpu.memory_space<vmem_shared>>
        tpu.wait_dma2 semaphore(%run_scoped3A : memref<!tpu.dma_semaphore, #tpu.memory_space<semaphore_mem>>) src(%dma_wait3A_100 : memref<16x128xf32, #tpu.memory_space<vmem_shared>>) dst(%dma_wait3A_97 : memref<16x128xf32, #tpu.memory_space<hbm>>)
        tpu.yield
      }) : () -> ()
    } else {
    }
    return
  }
}

module attributes {stable_mosaic.version = 14 : i64} {
  func.func @_mlp_body(%arg0: i32, %arg1: memref<2560x128xf32, #tpu.memory_space<vmem>>, %arg2: memref<2560x1xf32, #tpu.memory_space<vmem>>, %arg3: memref<2560x1xi32, #tpu.memory_space<vmem>>, %arg4: memref<2560x1xf32, #tpu.memory_space<vmem>>, %arg5: memref<3x1xf32, #tpu.memory_space<smem>>, %arg6: memref<128x128xf32, #tpu.memory_space<vmem>>, %arg7: memref<128x128xf32, #tpu.memory_space<vmem>>, %arg8: memref<128x128xf32, #tpu.memory_space<vmem>>, %arg9: memref<2560x128xf32, #tpu.memory_space<vmem>>, %arg10: memref<2560x128xf32, #tpu.memory_space<vmem>>, %arg11: memref<2560x128xf32, #tpu.memory_space<vmem>>) attributes {dimension_semantics = [#tpu.dimension_semantics<arbitrary>], iteration_bounds = array<i64: 125>, scalar_prefetch = 0 : i64, scratch_operands = 0 : i64, tpu.core_type = #tpu.core_type<tc>, window_params = [{transform_indices = @transform_0, window_bounds = array<i64: 2560, 128>}, {transform_indices = @transform_1, window_bounds = array<i64: 2560, 1>}, {transform_indices = @transform_2, window_bounds = array<i64: 2560, 1>}, {transform_indices = @transform_3, window_bounds = array<i64: 2560, 1>}, {transform_indices = @transform_4, window_bounds = array<i64: 3, 1>}, {pipeline_mode = #tpu.pipeline_mode<synchronous>, transform_indices = @transform_5, window_bounds = array<i64: 128, 128>}, {pipeline_mode = #tpu.pipeline_mode<synchronous>, transform_indices = @transform_6, window_bounds = array<i64: 128, 128>}, {pipeline_mode = #tpu.pipeline_mode<synchronous>, transform_indices = @transform_7, window_bounds = array<i64: 128, 128>}, {transform_indices = @transform_8, window_bounds = array<i64: 2560, 128>}, {transform_indices = @transform_9, window_bounds = array<i64: 2560, 128>}, {transform_indices = @transform_10, window_bounds = array<i64: 2560, 128>}]} {
    %get3A = arith.constant 0 : index
    %get3A_0 = arith.constant 0 : index
    %get3A_1 = vector.load %arg1[%get3A, %get3A_0] : memref<2560x128xf32, #tpu.memory_space<vmem>>, vector<2560x128xf32>
    %get3A_2 = arith.constant 0 : index
    %get3A_3 = arith.constant 0 : index
    %get3A_4 = vector.load %arg6[%get3A_2, %get3A_3] : memref<128x128xf32, #tpu.memory_space<vmem>>, vector<128x128xf32>
    %dot_general3A = arith.constant dense<0.000000e+00> : vector<2560x128xf32>
    %dot_general3A_5 = tpu.matmul %get3A_1, %get3A_4, %dot_general3A {dimension_numbers = #tpu.dot_dimension_numbers<[1], [0], [0], [1], [0, 0, 1, 1], [], []>, precision = #tpu.contract_precision<fp32>, transpose_lhs_hint = false} : vector<2560x128xf32>, vector<128x128xf32>, vector<2560x128xf32> -> vector<2560x128xf32>
    %max3A = arith.constant 0.000000e+00 : f32
    %max3A_6 = vector.broadcast %max3A : f32 to vector<2560x128xf32>
    %max3A_7 = arith.maximumf %dot_general3A_5, %max3A_6 : vector<2560x128xf32>
    %get3A_8 = arith.constant 0 : index
    %get3A_9 = arith.constant 0 : index
    %get3A_10 = vector.load %arg7[%get3A_8, %get3A_9] : memref<128x128xf32, #tpu.memory_space<vmem>>, vector<128x128xf32>
    %dot_general3A_11 = arith.constant dense<0.000000e+00> : vector<2560x128xf32>
    %dot_general3A_12 = tpu.matmul %max3A_7, %get3A_10, %dot_general3A_11 {dimension_numbers = #tpu.dot_dimension_numbers<[1], [0], [0], [1], [0, 0, 1, 1], [], []>, precision = #tpu.contract_precision<fp32>, transpose_lhs_hint = false} : vector<2560x128xf32>, vector<128x128xf32>, vector<2560x128xf32> -> vector<2560x128xf32>
    %max3A_13 = arith.constant 0.000000e+00 : f32
    %max3A_14 = vector.broadcast %max3A_13 : f32 to vector<2560x128xf32>
    %max3A_15 = arith.maximumf %dot_general3A_12, %max3A_14 : vector<2560x128xf32>
    %get3A_16 = arith.constant 0 : index
    %get3A_17 = arith.constant 0 : index
    %get3A_18 = vector.load %arg8[%get3A_16, %get3A_17] : memref<128x128xf32, #tpu.memory_space<vmem>>, vector<128x128xf32>
    %dot_general3A_19 = arith.constant dense<0.000000e+00> : vector<2560x128xf32>
    %dot_general3A_20 = tpu.matmul %max3A_15, %get3A_18, %dot_general3A_19 {dimension_numbers = #tpu.dot_dimension_numbers<[1], [0], [0], [1], [0, 0, 1, 1], [], []>, precision = #tpu.contract_precision<fp32>, transpose_lhs_hint = false} : vector<2560x128xf32>, vector<128x128xf32>, vector<2560x128xf32> -> vector<2560x128xf32>
    %get3A_21 = arith.constant 0 : index
    %get3A_22 = arith.constant 0 : index
    %get3A_23 = vector.load %arg2[%get3A_21, %get3A_22] : memref<2560x1xf32, #tpu.memory_space<vmem>>, vector<2560x1xf32>
    %get3A_24 = arith.constant 0 : index
    %get3A_25 = arith.constant 0 : index
    %get3A_26 = memref.load %arg5[%get3A_24, %get3A_25] : memref<3x1xf32, #tpu.memory_space<smem>>
    %mul3A = vector.broadcast %get3A_26 : f32 to vector<2560x1xf32>
    %mul3A_27 = arith.mulf %get3A_23, %mul3A : vector<2560x1xf32>
    %mul3A_28 = vector.broadcast %mul3A_27 : vector<2560x1xf32> to vector<2560x128xf32>
    %mul3A_29 = arith.mulf %dot_general3A_20, %mul3A_28 : vector<2560x128xf32>
    %swap3A = arith.constant 0 : index
    %swap3A_30 = arith.constant 0 : index
    %swap3A_31 = vector.load %arg9[%swap3A, %swap3A_30] : memref<2560x128xf32, #tpu.memory_space<vmem>>, vector<2560x128xf32>
    tpu.vector_store %arg9[%swap3A, %swap3A_30], %mul3A_29 {strides = array<i32>} : memref<2560x128xf32, #tpu.memory_space<vmem>>, vector<2560x128xf32>,
    %get3A_32 = arith.constant 0 : index
    %get3A_33 = arith.constant 0 : index
    %get3A_34 = vector.load %arg3[%get3A_32, %get3A_33] : memref<2560x1xi32, #tpu.memory_space<vmem>>, vector<2560x1xi32>
    %get3A_35 = arith.constant 1 : index
    %get3A_36 = arith.constant 0 : index
    %get3A_37 = memref.load %arg5[%get3A_35, %get3A_36] : memref<3x1xf32, #tpu.memory_space<smem>>
    %convert_element_type3A = arith.sitofp %get3A_34 : vector<2560x1xi32> to vector<2560x1xf32>
    %mul3A_38 = vector.broadcast %get3A_37 : f32 to vector<2560x1xf32>
    %mul3A_39 = arith.mulf %convert_element_type3A, %mul3A_38 : vector<2560x1xf32>
    %mul3A_40 = vector.broadcast %mul3A_39 : vector<2560x1xf32> to vector<2560x128xf32>
    %mul3A_41 = arith.mulf %dot_general3A_20, %mul3A_40 : vector<2560x128xf32>
    %swap3A_42 = arith.constant 0 : index
    %swap3A_43 = arith.constant 0 : index
    %swap3A_44 = vector.load %arg10[%swap3A_42, %swap3A_43] : memref<2560x128xf32, #tpu.memory_space<vmem>>, vector<2560x128xf32>
    tpu.vector_store %arg10[%swap3A_42, %swap3A_43], %mul3A_41 {strides = array<i32>} : memref<2560x128xf32, #tpu.memory_space<vmem>>, vector<2560x128xf32>,
    %get3A_45 = arith.constant 0 : index
    %get3A_46 = arith.constant 0 : index
    %get3A_47 = vector.load %arg4[%get3A_45, %get3A_46] : memref<2560x1xf32, #tpu.memory_space<vmem>>, vector<2560x1xf32>
    %get3A_48 = arith.constant 2 : index
    %get3A_49 = arith.constant 0 : index
    %get3A_50 = memref.load %arg5[%get3A_48, %get3A_49] : memref<3x1xf32, #tpu.memory_space<smem>>
    %mul3A_51 = vector.broadcast %get3A_50 : f32 to vector<2560x1xf32>
    %mul3A_52 = arith.mulf %get3A_47, %mul3A_51 : vector<2560x1xf32>
    %mul3A_53 = vector.broadcast %mul3A_52 : vector<2560x1xf32> to vector<2560x128xf32>
    %mul3A_54 = arith.mulf %dot_general3A_20, %mul3A_53 : vector<2560x128xf32>
    %swap3A_55 = arith.constant 0 : index
    %swap3A_56 = arith.constant 0 : index
    %swap3A_57 = vector.load %arg11[%swap3A_55, %swap3A_56] : memref<2560x128xf32, #tpu.memory_space<vmem>>, vector<2560x128xf32>
    tpu.vector_store %arg11[%swap3A_55, %swap3A_56], %mul3A_54 {strides = array<i32>} : memref<2560x128xf32, #tpu.memory_space<vmem>>, vector<2560x128xf32>,
    return
  }
  func.func @transform_0(%arg0: i32) -> (i32, i32) {
    %c0_i32 = arith.constant 0 : i32
    %c0_i32_0 = arith.constant 0 : i32
    return %arg0, %c0_i32 : i32, i32
  }
  func.func @transform_1(%arg0: i32) -> (i32, i32) {
    %c0_i32 = arith.constant 0 : i32
    %c0_i32_0 = arith.constant 0 : i32
    return %arg0, %c0_i32 : i32, i32
  }
  func.func @transform_2(%arg0: i32) -> (i32, i32) {
    %c0_i32 = arith.constant 0 : i32
    %c0_i32_0 = arith.constant 0 : i32
    return %arg0, %c0_i32 : i32, i32
  }
  func.func @transform_3(%arg0: i32) -> (i32, i32) {
    %c0_i32 = arith.constant 0 : i32
    %c0_i32_0 = arith.constant 0 : i32
    return %arg0, %c0_i32 : i32, i32
  }
  func.func @transform_4(%arg0: i32) -> (i32, i32) {
    %c0_i32 = arith.constant 0 : i32
    %c0_i32_0 = arith.constant 0 : i32
    %c0_i32_1 = arith.constant 0 : i32
    return %c0_i32, %c0_i32_0 : i32, i32
  }
  func.func @transform_5(%arg0: i32) -> (i32, i32) {
    %c0_i32 = arith.constant 0 : i32
    %c0_i32_0 = arith.constant 0 : i32
    %c0_i32_1 = arith.constant 0 : i32
    return %c0_i32, %c0_i32_0 : i32, i32
  }
  func.func @transform_6(%arg0: i32) -> (i32, i32) {
    %c0_i32 = arith.constant 0 : i32
    %c0_i32_0 = arith.constant 0 : i32
    %c0_i32_1 = arith.constant 0 : i32
    return %c0_i32, %c0_i32_0 : i32, i32
  }
  func.func @transform_7(%arg0: i32) -> (i32, i32) {
    %c0_i32 = arith.constant 0 : i32
    %c0_i32_0 = arith.constant 0 : i32
    %c0_i32_1 = arith.constant 0 : i32
    return %c0_i32, %c0_i32_0 : i32, i32
  }
  func.func @transform_8(%arg0: i32) -> (i32, i32) {
    %c0_i32 = arith.constant 0 : i32
    %c0_i32_0 = arith.constant 0 : i32
    return %arg0, %c0_i32 : i32, i32
  }
  func.func @transform_9(%arg0: i32) -> (i32, i32) {
    %c0_i32 = arith.constant 0 : i32
    %c0_i32_0 = arith.constant 0 : i32
    return %arg0, %c0_i32 : i32, i32
  }
  func.func @transform_10(%arg0: i32) -> (i32, i32) {
    %c0_i32 = arith.constant 0 : i32
    %c0_i32_0 = arith.constant 0 : i32
    return %arg0, %c0_i32 : i32, i32
  }
}

module attributes {stable_mosaic.version = 14 : i64} {
  func.func @_combine_body(%arg0: i32, %arg1: memref<2x2000x128xf32, #tpu.memory_space<vmem>>, %arg2: memref<128x64xf32, #tpu.memory_space<vmem>>, %arg3: memref<1x1xf32, #tpu.memory_space<smem>>, %arg4: memref<1x64xf32, #tpu.memory_space<vmem>>, %arg5: memref<2000x64xf32, #tpu.memory_space<vmem>>) attributes {dimension_semantics = [#tpu.dimension_semantics<arbitrary>], iteration_bounds = array<i64: 5>, scalar_prefetch = 0 : i64, scratch_operands = 0 : i64, tpu.core_type = #tpu.core_type<tc>, window_params = [{transform_indices = @transform_0, window_bounds = array<i64: 2, 2000, 128>}, {pipeline_mode = #tpu.pipeline_mode<synchronous>, transform_indices = @transform_1, window_bounds = array<i64: 128, 64>}, {transform_indices = @transform_2, window_bounds = array<i64: 1, 1>}, {pipeline_mode = #tpu.pipeline_mode<synchronous>, transform_indices = @transform_3, window_bounds = array<i64: 1, 64>}, {transform_indices = @transform_4, window_bounds = array<i64: 2000, 64>}]} {
    %get3A = arith.constant 0 : index
    %get3A_0 = arith.constant 0 : index
    %get3A_1 = arith.constant 0 : index
    %get3A_2 = vector.load %arg1[%get3A, %get3A_0, %get3A_1] : memref<2x2000x128xf32, #tpu.memory_space<vmem>>, vector<1x2000x128xf32>
    %get3A_3 = vector.shape_cast %get3A_2 : vector<1x2000x128xf32> to vector<2000x128xf32>
    %get3A_4 = arith.constant 1 : index
    %get3A_5 = arith.constant 0 : index
    %get3A_6 = arith.constant 0 : index
    %get3A_7 = vector.load %arg1[%get3A_4, %get3A_5, %get3A_6] : memref<2x2000x128xf32, #tpu.memory_space<vmem>>, vector<1x2000x128xf32>
    %get3A_8 = vector.shape_cast %get3A_7 : vector<1x2000x128xf32> to vector<2000x128xf32>
    %add3A = arith.addf %get3A_3, %get3A_8 : vector<2000x128xf32>
    %get3A_9 = arith.constant 0 : index
    %get3A_10 = arith.constant 0 : index
    %get3A_11 = memref.load %arg3[%get3A_9, %get3A_10] : memref<1x1xf32, #tpu.memory_space<smem>>
    %add3A_12 = vector.broadcast %get3A_11 : f32 to vector<2000x128xf32>
    %add3A_13 = arith.addf %add3A, %add3A_12 : vector<2000x128xf32>
    %get3A_14 = arith.constant 0 : index
    %get3A_15 = arith.constant 0 : index
    %get3A_16 = vector.load %arg2[%get3A_14, %get3A_15] : memref<128x64xf32, #tpu.memory_space<vmem>>, vector<128x64xf32>
    %dot_general3A = arith.constant dense<0.000000e+00> : vector<2000x64xf32>
    %dot_general3A_17 = tpu.matmul %add3A_13, %get3A_16, %dot_general3A {dimension_numbers = #tpu.dot_dimension_numbers<[1], [0], [0], [1], [0, 0, 1, 1], [], []>, precision = #tpu.contract_precision<fp32>, transpose_lhs_hint = false} : vector<2000x128xf32>, vector<128x64xf32>, vector<2000x64xf32> -> vector<2000x64xf32>
    %get3A_18 = arith.constant 0 : index
    %get3A_19 = arith.constant 0 : index
    %get3A_20 = vector.load %arg4[%get3A_18, %get3A_19] : memref<1x64xf32, #tpu.memory_space<vmem>>, vector<1x64xf32>
    %add3A_21 = vector.broadcast %get3A_20 : vector<1x64xf32> to vector<2000x64xf32>
    %add3A_22 = arith.addf %dot_general3A_17, %add3A_21 : vector<2000x64xf32>
    %swap3A = arith.constant 0 : index
    %swap3A_23 = arith.constant 0 : index
    %swap3A_24 = vector.load %arg5[%swap3A, %swap3A_23] : memref<2000x64xf32, #tpu.memory_space<vmem>>, vector<2000x64xf32>
    tpu.vector_store %arg5[%swap3A, %swap3A_23], %add3A_22 {strides = array<i32>} : memref<2000x64xf32, #tpu.memory_space<vmem>>, vector<2000x64xf32>,
    return
  }
  func.func @transform_0(%arg0: i32) -> (i32, i32, i32) {
    %c0_i32 = arith.constant 0 : i32
    %c0_i32_0 = arith.constant 0 : i32
    %c0_i32_1 = arith.constant 0 : i32
    return %c0_i32, %arg0, %c0_i32_0 : i32, i32, i32
  }
  func.func @transform_1(%arg0: i32) -> (i32, i32) {
    %c0_i32 = arith.constant 0 : i32
    %c0_i32_0 = arith.constant 0 : i32
    %c0_i32_1 = arith.constant 0 : i32
    return %c0_i32, %c0_i32_0 : i32, i32
  }
  func.func @transform_2(%arg0: i32) -> (i32, i32) {
    %c0_i32 = arith.constant 0 : i32
    %c0_i32_0 = arith.constant 0 : i32
    %c0_i32_1 = arith.constant 0 : i32
    return %c0_i32, %c0_i32_0 : i32, i32
  }
  func.func @transform_3(%arg0: i32) -> (i32, i32) {
    %c0_i32 = arith.constant 0 : i32
    %c0_i32_0 = arith.constant 0 : i32
    %c0_i32_1 = arith.constant 0 : i32
    return %c0_i32, %c0_i32_0 : i32, i32
  }
  func.func @transform_4(%arg0: i32) -> (i32, i32) {
    %c0_i32 = arith.constant 0 : i32
    %c0_i32_0 = arith.constant 0 : i32
    return %arg0, %c0_i32 : i32, i32
  }
}

</mosaic_0001>

<sc_bundles>
// kernel: kernel.5.cloned.1.call-start
scs
__scs_entry_jumppad:
0x0: {  	(pc) =	sbr.rel $0x88, $3  }
0x1: {  	(tag) =	ssettag $0x0;
	lr =	simm.s32 $0x1  }
0x2: {  	[smem:$0x3F93] =	sst lr;
	_ =	strace $0xD0000000  }
0x3: {  	_ = 	snop  }
0x4: {  	_ = 	snop  }
0x5: {  	_ = 	snop  }
0x6: {  	_ = 	snop  }
0x7: {  	_ = 	snop  }
__scs_overlays_trampoline_lowered:
0x8: {  	[smem:$0x3FA2] =	sst s0  }
0x9: {  	[smem:$0x3FA3] =	sst s1  }
0xa: {  	[smem:$0x3FA4] =	sst s2  }
0xb: {  	[smem:$0x3FA5] =	sst s3  }
0xc: {  	[smem:$0x3FA6] =	sst s4  }
0xd: {  	[smem:$0x3FA7] =	sst s5  }
0xe: {  	[smem:$0x3FA8] =	sst s6  }
0xf: {  	[smem:$0x3FA9] =	sst s7  }
0x10: {  	[smem:$0x3FAA] =	sst s8  }
0x11: {  	[smem:$0x3FAB] =	sst s9;
	s0 =	simm.s32 @!p0 $0x0  }
0x12: {  	s1 =	sld [smem:$0x3F91];
	s0 =	simm.s32 @p0 $0x1  }
0x13: {  	[smem:$0x3FAC] =	sst s0;
	s0 =	simm.s32 @!p1 $0x0  }
0x14: {  	s2 =	sld [smem:$0x3F90];
	s0 =	simm.s32 @p1 $0x1  }
0x15: {  	[smem:$0x3FAD] =	sst s0;
	s0 =	simm.s32 @!p2 $0x0  }
0x16: {  	s3 =	sld [smem:$0x3FDB];
	s0 =	simm.s32 @p2 $0x1  }
0x17: {  	s4 =	simm.s32 $0x1BF5;
	[smem:$0x3FAF] =	sst s0  }
0x18: {  	s0 =	sld [smem:$0x3F92];
	_ =	swait.ge [sflag:s4], $0x0  }
0x19: {  	s7 =	sld [smem:$0x3F93]  }
0x1a: {  	s8 =	sadd.s32 $0xFFFFE003, lr  }
0x1b: {  	s9 =	sadd.s32 $0xFFFFFEF7, lr;
	s5 =	simm.s32 $0xFFFFFFFF;
	p2 =	slt.u32 s8, $0xFFFFF086  }
0x1c: {  	p1 =	slt.u32 s9, $0xF7A;
	s5 =	simm.s32 @!p2 $0x0  }
0x1d: {  	s5 =	simm.s32 @p1 $0x1;
	p0 =	seq.s32 s7, s2  }
0x1e: {  	s7 =	smul.u32 @!p0 $0xF7A, s2;
	p2 =	seq.s32 @!p0 s5, $0x0  }
0x1f: {  	s9 =	smul.u32 $0xF7A, s1;
	s8 =	simm.s32 @!p0 $0x1BF5;
	p2 =	por !p2, p0  }
0x20: {  	[sflag:s8] =	ssyncset.s32 @!p0 $0xFFFFF086;
	s6 =	sadd.s32 @!p0 s3, s7;
	s7 =	simm.s32 @!p0 $0x108  }
0x21: {  	s3 =	sadd.s32 s3, s9;
	s6 =	sadd.s32 @!p0 $0x88, s6;
	s7 =	simm.s32 @p2 $0x1082  }
0x22: {  	[simem:s7], [sflag:s8] =	dma.local @!p0 [hbm:s6], $0xF7A  }
0x23: {  	s9 =	sor.u32 $0xD0000000, s2;
	s6 =	simm.s32 $0x108;
	_ =	swait.ge @!p0 [sflag:s8], $0x0  }
0x24: {  	s3 =	sadd.s32 $0x88, s3;
	s6 =	simm.s32 @!p1 $0x1082;
	[sflag:s4] =	ssyncset.s32 $0xFFFFF086  }
0x25: {  	[simem:s6], [sflag:s4] =	dma.local [hbm:s3], $0xF7A  }
0x26: {  	[smem:$0x3F93] =	sst s1;
	(tag) =	ssettag s2;
	_ =	strace s9  }
0x27: {  	s1 =	sld [smem:$0x3FA3]  }
0x28: {  	s2 =	sld [smem:$0x3FA4]  }
0x29: {  	s4 =	sld [smem:$0x3FA6]  }
0x2a: {  	p0 =	seq.s32 s5, $0x0;
	s5 =	sld [smem:$0x3FA7]  }
0x2b: {  	s6 =	sld [smem:$0x3FA8]  }
0x2c: {  	s7 =	sld [smem:$0x3FA9]  }
0x2d: {  	s3 =	simm.s32 $0x108;
	s8 =	sld [smem:$0x3FAA]  }
0x2e: {  	s3 =	simm.s32 @!p0 $0x1082;
	s9 =	sld [smem:$0x3FAB]  }
0x2f: {  	lr =	sadd.s32 s0, s3;
	s0 =	sld [smem:$0x3FA2]  }
0x30: {  	s3 =	sld [smem:$0x3FA5]  }
0x31: {  	[smem:$0x3FAE] =	sst s10  }
0x32: {  	s10 =	sld [smem:$0x3FAC];
	_ =	sdelay $0x3  }
0x33: {  	p0 =	seq.s32 s10, $0x1;
	s10 =	sld [smem:$0x3FAE];
	_ =	sdelay $0x3  }
0x34: {  	[smem:$0x3FAE] =	sst s10  }
0x35: {  	s10 =	sld [smem:$0x3FAD];
	_ =	sdelay $0x3  }
0x36: {  	p1 =	seq.s32 s10, $0x1;
	s10 =	sld [smem:$0x3FAE];
	_ =	sdelay $0x3  }
0x37: {  	[smem:$0x3FAE] =	sst s10  }
0x38: {  	s10 =	sld [smem:$0x3FAF]  }
0x39: {  	_ = 	snop;
	(pc) =	sbr.ind lr, $3  }
0x3a: {  	_ = 	snop  }
0x3b: {  	_ = 	snop  }
0x3c: {  	p2 =	seq.s32 s10, $0x1;
	s10 =	sld [smem:$0x3FAE]  }
0x3d: {  	_ =	shalt  }
0x3e: {  	_ =	shalt  }
0x3f: {  	_ =	shalt  }
0x40: {  	_ =	shalt  }
0x41: {  	_ =	shalt  }
0x42: {  	_ =	shalt  }
0x43: {  	_ =	shalt  }
0x44: {  	_ =	shalt  }
0x45: {  	_ =	shalt  }
0x46: {  	_ =	shalt  }
0x47: {  	_ =	shalt  }
0x48: {  	_ =	shalt  }
0x49: {  	_ =	shalt  }
0x4a: {  	_ =	shalt  }
0x4b: {  	_ =	shalt  }
0x4c: {  	_ =	shalt  }
0x4d: {  	_ =	shalt  }
0x4e: {  	_ =	shalt  }
0x4f: {  	_ =	shalt  }
0x50: {  	_ =	shalt  }
0x51: {  	_ =	shalt  }
0x52: {  	_ =	shalt  }
0x53: {  	_ =	shalt  }
0x54: {  	_ =	shalt  }
0x55: {  	_ =	shalt  }
0x56: {  	_ =	shalt  }
0x57: {  	_ =	shalt  }
0x58: {  	_ =	shalt  }
0x59: {  	_ =	shalt  }
0x5a: {  	_ =	shalt  }
0x5b: {  	_ =	shalt  }
0x5c: {  	_ =	shalt  }
0x5d: {  	_ =	shalt  }
0x5e: {  	_ =	shalt  }
0x5f: {  	_ =	shalt  }
0x60: {  	_ =	shalt  }
0x61: {  	_ =	shalt  }
0x62: {  	_ =	shalt  }
0x63: {  	_ =	shalt  }
0x64: {  	_ =	shalt  }
0x65: {  	_ =	shalt  }
0x66: {  	_ =	shalt  }
0x67: {  	_ =	shalt  }
0x68: {  	_ =	shalt  }
0x69: {  	_ =	shalt  }
0x6a: {  	_ =	shalt  }
0x6b: {  	_ =	shalt  }
0x6c: {  	_ =	shalt  }
0x6d: {  	_ =	shalt  }
0x6e: {  	_ =	shalt  }
0x6f: {  	_ =	shalt  }
0x70: {  	_ =	shalt  }
0x71: {  	_ =	shalt  }
0x72: {  	_ =	shalt  }
0x73: {  	_ =	shalt  }
0x74: {  	_ =	shalt  }
0x75: {  	_ =	shalt  }
0x76: {  	_ =	shalt  }
0x77: {  	_ =	shalt  }
0x78: {  	_ =	shalt  }
0x79: {  	_ =	shalt  }
0x7a: {  	_ =	shalt  }
0x7b: {  	_ =	shalt  }
0x7c: {  	_ =	shalt  }
0x7d: {  	_ =	shalt  }
0x7e: {  	_ =	shalt  }
0x7f: {  	_ =	shalt  }
0x80: {  	_ =	shalt  }
0x81: {  	_ =	shalt  }
0x82: {  	_ =	shalt  }
0x83: {  	_ =	shalt  }
0x84: {  	_ =	shalt  }
0x85: {  	_ =	shalt  }
0x86: {  	_ =	shalt  }
0x87: {  	_ =	shalt  }
.Lfunc_end0:
.L_simem_size_0:
called_computation_lowered:
.L_overlay_start_0:
0x88: {  	s2 =	sld [smem:$0x3FD9]  }
0x89: {  	s3 =	sld [smem:$0x3FFE];
	_ =	sdelay $0x1  }
0x8a: {  	s1 =	srdreg.scid  }
0x8b: {  	s0 =	sand.u32 $0x1, s1  }
0x8c: {  	s17 =	sshll.u32 s0, $0xA;
	s2 =	sadd.s32 s3, s2  }
0x8d: {  	s2 =	sadd.s32 s2, s17  }
0x8e: {  	[smem:$0x3FBA] =	sst s2  }
0x8f: {  	_ = 	snop  }
0x90: {  	s2 =	sld [smem:$0x3FD0];
	(tm) =	ssettm $0x1  }
0x91: {  	s18 =	sld [smem:$0x3FFB];
	_ =	sdelay $0x3  }
0x92: {  	_ =	strace s18  }
0x93: {  	s3 =	sld [smem:$0x3FFC];
	_ =	sdelay $0x3  }
0x94: {  	_ =	strace s3  }
0x95: {  	s3 =	sld [smem:$0x3FFD];
	_ =	sdelay $0x3  }
0x96: {  	_ =	strace s3  }
0x97: {  	_ =	strace $0x8FFFFFFF  }
0x98: {  	s19 =	sld [smem:$0x3FDB];
	_ =	sdelay $0x1  }
0x99: {  	s4 =	simm.s32 $_scs_section_size  }
0x9a: {  	s5 =	simm.s32 $_size__tile_overlayer_lowered;
	s6 =	simm.s32 $_tile_overlayer_lowered  }
0x9b: {  	s22 =	simm.s32 $0x1BFF;
	s21 =	sshll.u32 s6, $0x1;
	s3 =	sadd.s32 s4, s19  }
0x9c: {  	s7 =	simm.s32 $0x0;
	s20 =	sshll.u32 s5, $0x1;
	s5 =	sadd.s32 s21, s3  }
0x9d: {  	[timem:s7], [sflag:s22] =	dma.local [hbm:s5], s20  }
0x9e: {  	_ =	swait.ge [sflag:s22], s20  }
0x9f: {  	s4 =	ssub.s32 $0x0, s20;
	[sflag:s22] =	ssyncset.done $0x0  }
0xa0: {  	[sflag:s22] =	ssyncadd.s32 s4;
	_ =	sdelay $0x1  }
0xa1: {  	s23 =	simm.s32 $0x1B8B  }
0xa2: {  	_ =	swait.ge [sflag:s23], $0x1  }
0xa3: {  	[sflag:s23] =	ssyncset.done $0x0  }
0xa4: {  	s25 =	simm.s32 $0x1B8E;
	s24 =	sld [smem:$0x3FFE];
	[sflag:s23] =	ssyncadd.s32 $0xFFFFFFFF  }
0xa5: {  	s26 =	simm.s32 $execute0_lowered;
	[smem:$0x3FD2] =	sst s25  }
0xa6: {  	s5 =	sshll.u32 s26, $0x1;
	_ =	strace $0x80000046;
	[dreg:$0x1] =	wrdreg $0xFFFFFFFF  }
0xa7: {  	s28 =	simm.s32 $_size_execute0_lowered;
	s3 =	sadd.s32 s3, s5;
	[dreg:$0x0] =	wrdreg $0x0  }
0xa8: {  	s5 =	sshll.u32 s28, $0x1;
	[dreg:$0x2] =	wrdreg s3  }
0xa9: {  	[dreg:$0x3] =	wrdreg s5  }
0xaa: {  	[dreg:$0x4] =	wrdreg $0xC0  }
0xab: {  	_ =	task [dreg:s7], $0x5FFFF  }
0xac: {  	[dreg:$0x1] =	wrdreg $0xFFFFFFFF  }
0xad: {  	[dreg:$0x0] =	wrdreg $0x60  }
0xae: {  	[dreg:$0x2] =	wrdreg s24  }
0xaf: {  	[dreg:$0x3] =	wrdreg s2  }
0xb0: {  	[dreg:$0x4] =	wrdreg $0x80800  }
0xb1: {  	[dreg:$0x5] =	wrdreg $0x9  }
0xb2: {  	_ =	task.clear_ibuf [dreg:s7], $0x6FFFF;
	_ =	strace $0x90000046  }
0xb3: {  	s29 =	simm.s32 $0x9;
	_ =	strace $0x80000048  }
0xb4: {  	_ =	swait.ge [sflag:s29], $0x1  }
0xb5: {  	[sflag:s29] =	ssyncadd.s32 $0xFFFFFFFF  }
0xb6: {  	_ =	strace $0x90000048  }
0xb7: {  	_ =	sfence  }
0xb8: {  	s30 =	sld [smem:$0x0];
	_ =	sdelay $0x2  }
0xb9: {  	s31 =	sshll.u32 s1, $0xD;
	s1 =	sshrl.u32 s1, $0x2  }
0xba: {  	s3 =	sand.u32 $0x4000, s31;
	s1 =	sadd.s32 s1, s30  }
0xbb: {  	s0 =	sor.u32 s3, s0;
	s1 =	sshll.u32 s1, $0x11  }
0xbc: {  	s0 =	sor.u32 s1, s0  }
0xbd: {  	s0 =	sadd.s32 $0x8F2B, s0  }
0xbe: {  	[sflag:s0] =	ssyncadd.remote.s32 $0x1  }
0xbf: {  	_ =	sfence.sel $0xFFFF  }
0xc0: {  	[dreg:$0x0] =	wrdreg $0xFFFFFFFF;
	(pc) =	sbr.abs _section_cstart, $3  }
0xc1: {  	[dreg:$0x1] =	wrdreg $0xFFFFFFFF  }
0xc2: {  	_ =	task.clear_ibuf [dreg:s7], $0x2FFFF;
	_ =	strace $0x9FFFFFFF  }
0xc3: {  	(tm) =	ssettm $0x7FFFFFFF  }
tec
execute0_lowered:
.L_overlay_start_1:
0x0: {  	(tag) =	ssettag $0x1  }
0x1: {  	s1 =	srdreg.scid;
	s5 =	rddreg [dreg:$0x0]  }
0x2: {  	s0 =	stileid.u32;
	s16 =	rddreg [dreg:$0x1]  }
0x3: {  	s19 =	simm.s32 $0x1;
	s20 =	simm.s32 $0x4000;
	s21 =	simm.s32 $0x80  }
0x4: {  	s25 =	simm.s32 $0x0;
	s4 =	sand.u32 $0x1, s1;
	s29 =	smul.u32 $0x9C, s0  }
0x5: {  	s2 =	sshll.u32 s0, $0x1;
	s1 =	rddreg [dreg:$0x3];
	s11 =	smul.u32 $0x4E000, s0  }
0x6: {  	s8 =	sshll.u32 s0, $0xE;
	p0 =	slt.u32 s0, $0x2;
	s22 =	smul.u32 $0x2700, s0  }
0x7: {  	p1 =	sne.s32 s0, $0xF;
	s3 =	smul.u32 $0x4E, s4;
	s6 =	sor.u32 s4, s2  }
0x8: {  	s2 =	rddreg [dreg:$0x2];
	s30 =	smul.u32 $0x27100, s4;
	s4 =	ssub.s32 $0x2, s4  }
0x9: {  	s6 =	smin.u32 s6, $0x4;
	s31 =	sshrl.u32 s4, $0x1;
	s11 =	sshrl.u32 s11, $0x2  }
0xa: {  	s24 =	sadd.s32 $0x138000, s2;
	s7 =	sadd.s32 s3, s29;
	s3 =	simm.s32 $0x0  }
0xb: {  	s10 =	sadd.s32 s30, s5;
	s13 =	ssub.s32 s4, s31;
	s4 =	sadd.s32 s8, s2  }
0xc: {  	s8 =	simm.s32 $0x4F;
	s23 =	sadd.s32 s11, s2;
	s24 =	sshrl.u32 @!p1 s24, $0x3  }
0xd: {  	s6 =	sadd.s32 s6, s7;
	[smem:$0x7FF] =	sst s3;
	s9 =	sadd.s32 $0x100000, s4  }
0xe: {  	s8 =	simm.s32 @!p0 $0x4E;
	s10 =	sadd.s32 $0x1E00, s10;
	s13 =	smax.u32 s13, $0x1  }
0xf: {  	p0 =	seq.s32 s0, $0xF;
	s7 =	sshll.u32 s6, $0xB;
	_ =	strace $0x80000047  }
0x10: {  	s17 =	sshll.u32 s6, $0x4;
	s6 =	sadd.s32 $0x80000, s4;
	s15 =	sadd.s32 s7, s5  }
0x11: {  	s18 =	sadd.s32 s17, s5;
	s5 =	sadd.s32 $0x40000, s4;
	s7 =	sadd.s32 $0xC0000, s4  }
0x12: {  	s23 =	sshrl.u32 s23, $0x3;
	s11 =	sadd.s32 $0xEBBA00, s15;
	s12 =	sadd.s32 $0x139DA00, s15  }
0x13: {  	s22 =	sadd.s32 s22, s10;
	s14 =	sadd.s32 $0xEA7E00, s18;
	s15 =	sadd.s32 $0x187FA00, s15  }
0x14: {  	v0 =	vimm.f32 $0.0e+00;
	s16 =	sadd.s32 s17, s16;
	s17 =	sadd.s32 $0xEB1C00, s18;
	s18 =	simm.s32 $0x4080  }
.LBB2_1:
0x15: {  	s26 =	simm.s32 $0x0;
	s28 =	simm.s32 $0x200  }
.LBB2_2:
0x16: {  	p2 =	sne.s32 s28, $0xFE00;
	[tilespmem:s26+$0x40F0] =	vst v0  }
0x17: {  	[tilespmem:s26+$0x4080] =	vst v0  }
0x18: {  	[tilespmem:s26+$0x4090] =	vst v0  }
.Ltmp0:
0x19: {  	[tilespmem:s26+$0x40A0] =	vst v0;
	(pc) =	sbr.rel @p2 .LBB2_2-.Ltmp0, $4  }
0x1a: {  	[tilespmem:s26+$0x40B0] =	vst v0  }
0x1b: {  	[tilespmem:s26+$0x40C0] =	vst v0  }
0x1c: {  	[tilespmem:s26+$0x40D0] =	vst v0  }
0x1d: {  	[tilespmem:s26+$0x40E0] =	vst v0;
	s26 =	sshra.s32 s28, $0x2;
	s28 =	sadd.s32 $0x200, s28  }
0x1e: {  	[tilespmem:s26+$0x40F0] =	vst v0  }
0x1f: {  	[tilespmem:s26+$0x4080] =	vst v0  }
0x20: {  	[tilespmem:s26+$0x4090] =	vst v0  }
0x21: {  	[tilespmem:s26+$0x40A0] =	vst v0  }
0x22: {  	[tilespmem:s26+$0x40B0] =	vst v0  }
0x23: {  	[tilespmem:s26+$0x40C0] =	vst v0  }
0x24: {  	[tilespmem:s26+$0x40D0] =	vst v0  }
0x25: {  	[tilespmem:s26+$0x40E0] =	vst v0  }
0x26: {  	[spmem:s4] =	stream.linear.scatter [tilespmem:s18], [sflag:$0x1], $0x4000, $0x38;
	[tilespmem:$0x1BC80] =	vst v63  }
0x27: {  	_ =	swait.ge [sflag:s19], $0x4000  }
0x28: {  	[sflag:s19] =	ssyncset.done $0x0  }
0x29: {  	[sflag:s19] =	ssyncadd.s32 $0xFFFFC000  }
0x2a: {  	[spmem:s5] =	stream.linear.scatter [tilespmem:s18], [sflag:$0x1], $0x4000, $0x38;
	[tilespmem:$0x1BC80] =	vst v63  }
0x2b: {  	_ =	swait.ge [sflag:s19], $0x4000  }
0x2c: {  	[sflag:s19] =	ssyncset.done $0x0  }
0x2d: {  	[sflag:s19] =	ssyncadd.s32 $0xFFFFC000  }
0x2e: {  	[spmem:s6] =	stream.linear.scatter [tilespmem:s18], [sflag:$0x1], $0x4000, $0x38;
	[tilespmem:$0x1BC80] =	vst v63  }
0x2f: {  	_ =	swait.ge [sflag:s19], $0x4000  }
0x30: {  	[sflag:s19] =	ssyncset.done $0x0  }
0x31: {  	[sflag:s19] =	ssyncadd.s32 $0xFFFFC000  }
0x32: {  	[spmem:s7] =	stream.linear.scatter [tilespmem:s18], [sflag:$0x1], $0x4000, $0x38;
	[tilespmem:$0x1BC80] =	vst v63  }
0x33: {  	_ =	swait.ge [sflag:s19], $0x4000  }
0x34: {  	[sflag:s19] =	ssyncset.done $0x0  }
0x35: {  	s26 =	simm.s32 @!p0 $0x4080;
	[sflag:s19] =	ssyncadd.s32 $0xFFFFC000  }
0x36: {  	[spmem:s9] =	stream.linear.scatter @!p0 [tilespmem:s26], [sflag:$0x1], $0x4000, $0x38;
	[tilespmem:$0x1BC80] =	vst v63  }
0x37: {  	s26 =	simm.s32 @!p0 $0x1  }
0x38: {  	_ =	swait.ge @!p0 [sflag:s26], $0x4000  }
0x39: {  	[sflag:s26] =	ssyncset.done @!p0 $0x0  }
0x3a: {  	[sflag:s26] =	ssyncadd.s32 @!p0 $0xFFFFC000  }
0x3b: {  	[bflag:$0x0] =	sbarrier.arrive $0xFFFF  }
0x3c: {  	[tilespmem:s20], [sflag:$0x1] =	stream.linear.gather [hbm4b:s16+s3], $0x80, $0x38;
	[tilespmem:$0x1BC80] =	vst v63  }
0x3d: {  	_ =	swait.ge [sflag:s19], $0x80  }
0x3e: {  	[sflag:s19] =	ssyncset.done $0x0  }
0x3f: {  	[sflag:s19] =	ssyncadd.s32 $0xFFFFFF80  }
0x40: {  	[tilespmem:s3], [sflag:$0x1] =	stream.linear.gather [hbm4b:s11+s3], $0x4000, $0x38;
	[tilespmem:$0x1BC80] =	vst v63  }
0x41: {  	p2 =	sne.s32 s8, $0x1;
	_ =	swait.ge [sflag:s19], $0x4000  }
.Ltmp1:
0x42: {  	[sflag:s19] =	ssyncset.done $0x0;
	(pc) =	sbr.rel @!p2 .LBB2_5-.Ltmp1, $4  }
0x43: {  	[sflag:s19] =	ssyncadd.s32 $0xFFFFC000  }
0x44: {  	[spmem:s2] =	stream.indirect.scatter.add.f32 [tilespmem:s3], [sflag:$0x1], $0x80, s20, s21, $0xb8;
	[tilespmem:$0x1BC80] =	vst v63  }
0x45: {  	s28 =	smov.u32 s11;
	_ =	swait.ge [sflag:s19], $0x4000  }
0x46: {  	s29 =	smov.u32 s16;
	s26 =	sadd.s32 $0xFFFFFFFF, s8;
	[sflag:s19] =	ssyncset.done $0x0  }
.LBB2_4:
0x47: {  	[sflag:s19] =	ssyncadd.s32 $0xFFFFC000;
	s28 =	sadd.s32 $0x800, s28;
	s29 =	sadd.s32 $0x10, s29  }
0x48: {  	[tilespmem:s20], [sflag:$0x1] =	stream.linear.gather [hbm4b:s29+s3], $0x80, $0x38;
	[tilespmem:$0x1BC80] =	vst v63  }
0x49: {  	p3 =	sne.s32 s26, $0x1;
	s26 =	sadd.s32 $0xFFFFFFFF, s26;
	_ =	swait.ge [sflag:s19], $0x80  }
0x4a: {  	[sflag:s19] =	ssyncset.done $0x0  }
0x4b: {  	[sflag:s19] =	ssyncadd.s32 $0xFFFFFF80  }
0x4c: {  	[tilespmem:s3], [sflag:$0x1] =	stream.linear.gather [hbm4b:s28+s3], $0x4000, $0x38;
	[tilespmem:$0x1BC80] =	vst v63  }
0x4d: {  	_ =	swait.ge [sflag:s19], $0x4000  }
.Ltmp2:
0x4e: {  	[sflag:s19] =	ssyncset.done $0x0;
	(pc) =	sbr.rel @p3 .LBB2_4-.Ltmp2, $4  }
0x4f: {  	[sflag:s19] =	ssyncadd.s32 $0xFFFFC000  }
0x50: {  	[spmem:s2] =	stream.indirect.scatter.add.f32 [tilespmem:s3], [sflag:$0x1], $0x80, s20, s21, $0xb8;
	[tilespmem:$0x1BC80] =	vst v63  }
0x51: {  	_ =	swait.ge [sflag:s19], $0x4000  }
0x52: {  	[sflag:s19] =	ssyncset.done $0x0  }
.LBB2_5:
0x53: {  	[sflag:s19] =	ssyncadd.s32 $0xFFFFC000  }
0x54: {  	[tilespmem:s20], [sflag:$0x1] =	stream.linear.gather [hbm4b:s14+s3], $0x80, $0x38;
	[tilespmem:$0x1BC80] =	vst v63  }
0x55: {  	_ =	swait.ge [sflag:s19], $0x80  }
0x56: {  	[sflag:s19] =	ssyncset.done $0x0  }
0x57: {  	[sflag:s19] =	ssyncadd.s32 $0xFFFFFF80  }
0x58: {  	[tilespmem:s3], [sflag:$0x1] =	stream.linear.gather [hbm4b:s12+s3], $0x4000, $0x38;
	[tilespmem:$0x1BC80] =	vst v63  }
0x59: {  	_ =	swait.ge [sflag:s19], $0x4000  }
.Ltmp3:
0x5a: {  	[sflag:s19] =	ssyncset.done $0x0;
	(pc) =	sbr.rel @!p2 .LBB2_7-.Ltmp3, $4  }
0x5b: {  	[sflag:s19] =	ssyncadd.s32 $0xFFFFC000  }
0x5c: {  	[spmem:s2] =	stream.indirect.scatter.add.f32 [tilespmem:s3], [sflag:$0x1], $0x80, s20, s21, $0xb8;
	[tilespmem:$0x1BC80] =	vst v63  }
0x5d: {  	s26 =	sadd.s32 $0xFFFFFFFF, s8;
	_ =	swait.ge [sflag:s19], $0x4000  }
0x5e: {  	s28 =	smov.u32 s12;
	s29 =	smov.u32 s14;
	[sflag:s19] =	ssyncset.done $0x0  }
.LBB2_6:
0x5f: {  	[sflag:s19] =	ssyncadd.s32 $0xFFFFC000;
	s28 =	sadd.s32 $0x800, s28;
	s29 =	sadd.s32 $0x10, s29  }
0x60: {  	[tilespmem:s20], [sflag:$0x1] =	stream.linear.gather [hbm4b:s29+s3], $0x80, $0x38;
	[tilespmem:$0x1BC80] =	vst v63  }
0x61: {  	p3 =	sne.s32 s26, $0x1;
	s26 =	sadd.s32 $0xFFFFFFFF, s26;
	_ =	swait.ge [sflag:s19], $0x80  }
0x62: {  	[sflag:s19] =	ssyncset.done $0x0  }
0x63: {  	[sflag:s19] =	ssyncadd.s32 $0xFFFFFF80  }
0x64: {  	[tilespmem:s3], [sflag:$0x1] =	stream.linear.gather [hbm4b:s28+s3], $0x4000, $0x38;
	[tilespmem:$0x1BC80] =	vst v63  }
0x65: {  	_ =	swait.ge [sflag:s19], $0x4000  }
.Ltmp4:
0x66: {  	[sflag:s19] =	ssyncset.done $0x0;
	(pc) =	sbr.rel @p3 .LBB2_6-.Ltmp4, $4  }
0x67: {  	[sflag:s19] =	ssyncadd.s32 $0xFFFFC000  }
0x68: {  	[spmem:s2] =	stream.indirect.scatter.add.f32 [tilespmem:s3], [sflag:$0x1], $0x80, s20, s21, $0xb8;
	[tilespmem:$0x1BC80] =	vst v63  }
0x69: {  	_ =	swait.ge [sflag:s19], $0x4000  }
0x6a: {  	[sflag:s19] =	ssyncset.done $0x0  }
.LBB2_7:
0x6b: {  	[sflag:s19] =	ssyncadd.s32 $0xFFFFC000  }
0x6c: {  	[tilespmem:s20], [sflag:$0x1] =	stream.linear.gather [hbm4b:s17+s3], $0x80, $0x38;
	[tilespmem:$0x1BC80] =	vst v63  }
0x6d: {  	_ =	swait.ge [sflag:s19], $0x80  }
0x6e: {  	[sflag:s19] =	ssyncset.done $0x0  }
0x6f: {  	[sflag:s19] =	ssyncadd.s32 $0xFFFFFF80  }
0x70: {  	[tilespmem:s3], [sflag:$0x1] =	stream.linear.gather [hbm4b:s15+s3], $0x4000, $0x38;
	[tilespmem:$0x1BC80] =	vst v63  }
0x71: {  	_ =	swait.ge [sflag:s19], $0x4000  }
.Ltmp5:
0x72: {  	[sflag:s19] =	ssyncset.done $0x0;
	(pc) =	sbr.rel @!p2 .LBB2_9-.Ltmp5, $4  }
0x73: {  	[sflag:s19] =	ssyncadd.s32 $0xFFFFC000  }
0x74: {  	[spmem:s2] =	stream.indirect.scatter.add.f32 [tilespmem:s3], [sflag:$0x1], $0x80, s20, s21, $0xb8;
	[tilespmem:$0x1BC80] =	vst v63  }
0x75: {  	s26 =	sadd.s32 $0xFFFFFFFF, s8;
	_ =	swait.ge [sflag:s19], $0x4000  }
0x76: {  	s28 =	smov.u32 s15;
	s29 =	smov.u32 s17;
	[sflag:s19] =	ssyncset.done $0x0  }
.LBB2_8:
0x77: {  	[sflag:s19] =	ssyncadd.s32 $0xFFFFC000;
	s28 =	sadd.s32 $0x800, s28;
	s29 =	sadd.s32 $0x10, s29  }
0x78: {  	[tilespmem:s20], [sflag:$0x1] =	stream.linear.gather [hbm4b:s29+s3], $0x80, $0x38;
	[tilespmem:$0x1BC80] =	vst v63  }
0x79: {  	p2 =	sne.s32 s26, $0x1;
	s26 =	sadd.s32 $0xFFFFFFFF, s26;
	_ =	swait.ge [sflag:s19], $0x80  }
0x7a: {  	[sflag:s19] =	ssyncset.done $0x0  }
0x7b: {  	[sflag:s19] =	ssyncadd.s32 $0xFFFFFF80  }
0x7c: {  	[tilespmem:s3], [sflag:$0x1] =	stream.linear.gather [hbm4b:s28+s3], $0x4000, $0x38;
	[tilespmem:$0x1BC80] =	vst v63  }
0x7d: {  	_ =	swait.ge [sflag:s19], $0x4000  }
.Ltmp6:
0x7e: {  	[sflag:s19] =	ssyncset.done $0x0;
	(pc) =	sbr.rel @p2 .LBB2_8-.Ltmp6, $4  }
0x7f: {  	[sflag:s19] =	ssyncadd.s32 $0xFFFFC000  }
0x80: {  	[spmem:s2] =	stream.indirect.scatter.add.f32 [tilespmem:s3], [sflag:$0x1], $0x80, s20, s21, $0xb8;
	[tilespmem:$0x1BC80] =	vst v63  }
0x81: {  	_ =	swait.ge [sflag:s19], $0x4000  }
0x82: {  	[sflag:s19] =	ssyncset.done $0x0  }
.LBB2_9:
0x83: {  	[sflag:s19] =	ssyncadd.s32 $0xFFFFC000;
	s26 =	sshll.u32 s0, $0x6  }
0x84: {  	[bflag:$0x0] =	sbarrier.arrive $0xFFFF;
	s26 =	sor.u32 $0x1C01, s26  }
0x85: {  	[hbm:s22], [sflag:s26] =	dma.local [spmem:s23], $0x2700  }
0x86: {  	_ =	swait.ge [sflag:s19], $0x2700  }
0x87: {  	s25 =	sadd.s32 $0x1, s25;
	[sflag:s19] =	ssyncset.done $0x0  }
0x88: {  	s28 =	sadd.s32 @!p1 $0x27000, s10;
	p2 =	sne.s32 s25, s13;
	[sflag:s19] =	ssyncadd.s32 $0xFFFFD900  }
0x89: {  	[hbm:s28], [sflag:s26] =	dma.local @!p1 [spmem:s24], $0x100  }
.Ltmp7:
0x8a: {  	_ = 	snop;
	(pc) =	sbr.rel @p2 .LBB2_1-.Ltmp7, $4  }
0x8b: {  	s26 =	simm.s32 @!p1 $0x1  }
0x8c: {  	_ =	swait.ge @!p1 [sflag:s26], $0x100  }
0x8d: {  	[sflag:s26] =	ssyncset.done @!p1 $0x0  }
0x8e: {  	[sflag:s26] =	ssyncadd.s32 @!p1 $0xFFFFFF00  }
0x8f: {  	_ =	sfence.sel $0x180000  }
0x90: {  	[bflag:$0x0] =	sbarrier.arrive $0xFFFF  }
0x91: {  	p0 =	sne.s32 s0, $0x0;
	_ =	strace $0x90000047  }
0x92: {  	s0 =	sadd.s32 @!p0 $0x100000, s1;
	[bflag:$0x2] =	sbarrier.arrive $0xFFFF  }
0x93: {  	[sflag:s0] =	ssyncadd.tile.s32 @!p0 $0x1;
	_ =	shalt  }
.Lfunc_end2:
_tile_overlayer_lowered:
.L_overlay_start_2:
0x94: {  	(tag) =	ssettag $0x2  }
0x95: {  	s0 =	rddreg [dreg:$0x0];
	s2 =	stileid.u32  }
0x96: {  	s1 =	rddreg [dreg:$0x1];
	p0 =	sne.s32 s2, $0x0  }
0x97: {  	s3 =	rddreg [dreg:$0x2];
	[bflag:$0x3] =	sbarrier.arrive $0xFFFF;
	s2 =	simm.s32 @!p0 $0x1C01  }
0x98: {  	[timem:s3], [sflag:s2] =	dma.local @!p0 [hbm:s0], s1  }
0x99: {  	s0 =	simm.s32 @!p0 $0x1  }
0x9a: {  	_ =	swait.ge @!p0 [sflag:s0], s1  }
0x9b: {  	s1 =	ssub.s32 @!p0 $0x0, s1;
	[sflag:s0] =	ssyncset.done @!p0 $0x0  }
0x9c: {  	[sflag:s0] =	ssyncadd.s32 @!p0 s1  }
0x9d: {  	[bflag:$0x3] =	sbarrier.arrive $0xFFFF  }
0x9e: {  	_ =	shalt  }

</sc_bundles>
